<compile_context>
chip_gen: v7x
topology: tpu7x:2x2x1
jax: 0.10.2.dev20260603
libtpu: 0.0.44.dev20260713+nightly
codegen_flags: <defaults>
</compile_context>

<pallas_src>
import functools

import jax
import jax.numpy as jnp
from jax import lax
from jax.experimental import pallas as pl
from jax.experimental.pallas import tpu as pltpu
from jax.experimental.pallas import tpu_sc as plsc

N_NODES = 100000
N_PAD = 100352
D_IN = 16
D_OUT = 32
N_EDGES = 3200000
E_PAD = 3276800
ROWS_PER_TILE_E = 800
CH = 8
N_CHUNKS = ROWS_PER_TILE_E // CH
NODE_ROWS_PER_TILE = N_PAD // 32


def _sc_aggregate_kernel():
    mesh = plsc.VectorSubcoreMesh(core_axis_name="c", subcore_axis_name="s")
    rows_per_tile = N_PAD // 16

    @functools.partial(
        pl.kernel,
        out_type=(
            jax.ShapeDtypeStruct((2, N_PAD, D_IN), jnp.float32),
            jax.ShapeDtypeStruct((2, N_PAD), jnp.float32),
        ),
        mesh=mesh,
        compiler_params=pltpu.CompilerParams(use_tc_tiling_on_sc=False),
        scratch_types=[
            pltpu.VMEM((CH, 128), jnp.int32),
            pltpu.VMEM((CH, 128), jnp.int32),
            pltpu.VMEM((CH * 128, D_IN), jnp.float32),
            pltpu.VMEM((128,), jnp.float32),
            pltpu.VMEM_SHARED((N_PAD, D_IN), jnp.float32),
            pltpu.VMEM_SHARED((N_PAD,), jnp.float32),
            pltpu.SemaphoreType.DMA,
        ],
    )
    def k(x_hbm, src_hbm, dst_hbm, z16_hbm, z1_hbm, acc_out, cnt_out,
          src_v, dst_v, rows_v, ones_v, acc_sh, cnt_sh, sem):
        c = lax.axis_index("c")
        s = lax.axis_index("s")
        tid32 = s * 2 + c

        for i in range(128 // 16):
            ones_v[pl.ds(i * 16, 16)] = jnp.ones((16,), jnp.float32)

        node0 = s * rows_per_tile
        pltpu.sync_copy(z16_hbm, acc_sh.at[pl.ds(node0, rows_per_tile)])
        pltpu.sync_copy(z1_hbm, cnt_sh.at[pl.ds(node0, rows_per_tile)])
        plsc.subcore_barrier()

        def chunk_body(g, carry):
            base = tid32 * ROWS_PER_TILE_E + g * CH
            pltpu.sync_copy(src_hbm.at[pl.ds(base, CH)], src_v)
            pltpu.sync_copy(dst_hbm.at[pl.ds(base, CH)], dst_v)
            cps = [
                pltpu.async_copy(
                    x_hbm.at[src_v.at[j]],
                    rows_v.at[pl.ds(j * 128, 128)],
                    sem,
                )
                for j in range(CH)
            ]
            for cp in cps:
                cp.wait()
            for j in range(CH):
                pltpu.sync_copy(
                    rows_v.at[pl.ds(j * 128, 128)],
                    acc_sh.at[dst_v.at[j]],
                    add=True,
                )
                pltpu.sync_copy(ones_v, cnt_sh.at[dst_v.at[j]], add=True)
            return carry

        lax.fori_loop(0, N_CHUNKS, chunk_body, 0)
        plsc.subcore_barrier()

        pltpu.sync_copy(
            acc_sh.at[pl.ds(node0, rows_per_tile)],
            acc_out.at[c].at[pl.ds(node0, rows_per_tile)],
        )
        pltpu.sync_copy(
            cnt_sh.at[pl.ds(node0, rows_per_tile)],
            cnt_out.at[c].at[pl.ds(node0, rows_per_tile)],
        )

    return k


_BLK = 8000


def _tc_epilogue(acc, cnt, x, W_l, b_l, W_r):
    n_blk = 4000
    grid = N_NODES // n_blk

    def body(acc0_ref, acc1_ref, cnt0_ref, cnt1_ref, x_ref, wl_ref, bl_ref,
             wr_ref, out_ref):
        agg = acc0_ref[...] + acc1_ref[...]
        cntv = cnt0_ref[...] + cnt1_ref[...]
        mean = agg / jnp.clip(cntv, 1.0, None)
        out = (
            jnp.dot(mean, wl_ref[...].T, preferred_element_type=jnp.float32)
            + jnp.dot(x_ref[...], wr_ref[...].T,
                      preferred_element_type=jnp.float32)
            + bl_ref[...][None, :]
        )
        out_ref[...] = out

    return pl.pallas_call(
        body,
        grid=(grid,),
        in_specs=[
            pl.BlockSpec((n_blk, D_IN), lambda i: (i, 0)),
            pl.BlockSpec((n_blk, D_IN), lambda i: (i, 0)),
            pl.BlockSpec((n_blk, 1), lambda i: (i, 0)),
            pl.BlockSpec((n_blk, 1), lambda i: (i, 0)),
            pl.BlockSpec((n_blk, D_IN), lambda i: (i, 0)),
            pl.BlockSpec((D_OUT, D_IN), lambda i: (0, 0)),
            pl.BlockSpec((D_OUT,), lambda i: (0,)),
            pl.BlockSpec((D_OUT, D_IN), lambda i: (0, 0)),
        ],
        out_specs=pl.BlockSpec((n_blk, D_OUT), lambda i: (i, 0)),
        out_shape=jax.ShapeDtypeStruct((N_NODES, D_OUT), jnp.float32),
    )(acc[0, :N_NODES], acc[1, :N_NODES],
      cnt[0, :N_NODES].reshape(N_NODES, 1), cnt[1, :N_NODES].reshape(N_NODES, 1),
      x, W_l, b_l, W_r)


def kernel(x, edge_index, W_l, b_l, W_r):
    ei = edge_index.astype(jnp.int32)
    pad_e = E_PAD - N_EDGES
    src = jnp.concatenate([ei[0], jnp.zeros((pad_e,), jnp.int32)])
    dst = jnp.concatenate(
        [ei[1], jnp.full((pad_e,), N_NODES, jnp.int32)])
    src2d = src.reshape(E_PAD // 128, 128)
    dst2d = dst.reshape(E_PAD // 128, 128)
    z16 = jnp.zeros((N_PAD // 16, D_IN), jnp.float32)
    z1 = jnp.zeros((N_PAD // 16,), jnp.float32)

    acc, cnt = _sc_aggregate_kernel()(x, src2d, dst2d, z16, z1)
    return _tc_epilogue(acc, cnt, x, W_l, b_l, W_r)

# --- scband reference (transcript-rebuilt; emitter-appended) ---
"""Pipeline reference for scband-net10-29755533427168 (READ-ONLY COPY).

The authoritative reference and input builder live on the scoring server;
editing this copy changes nothing except your own understanding.
"""

import jax, jax.numpy as jnp
import numpy as np

N_NODES = 100000
N_EDGES = 3200000
D_IN = 16
D_OUT = 32

def setup_inputs(seed: int = 0) -> dict:
    key = jax.random.key(seed)
    k1, k2, k3, k4, k5 = jax.random.split(key, 5)
    x = jax.random.normal(k1, (N_NODES, D_IN), dtype=jnp.float32)
    edge_index = jax.random.randint(k2, (2, N_EDGES), 0, N_NODES, dtype=jnp.int64)
    # SAGEConv params: lin_l (neighbor transform, with bias), lin_r (root transform, no bias)
    scale = 1.0 / np.sqrt(D_IN)
    W_l = jax.random.uniform(k3, (D_OUT, D_IN), dtype=jnp.float32, minval=-scale, maxval=scale)
    b_l = jnp.zeros((D_OUT,), dtype=jnp.float32)
    W_r = jax.random.uniform(k4, (D_OUT, D_IN), dtype=jnp.float32, minval=-scale, maxval=scale)
    return {"x": x, "edge_index": edge_index, "W_l": W_l, "b_l": b_l, "W_r": W_r}

def reference(x, edge_index, W_l, b_l, W_r):
    # eval mode: F.dropout and dropout_edge are identity
    src = edge_index[0]
    dst = edge_index[1]
    msgs = jnp.take(x, src, axis=0)                       # gather x_j
    agg = jax.ops.segment_sum(msgs, dst, num_segments=N_NODES)
    cnt = jax.ops.segment_sum(jnp.ones((msgs.shape[0],), dtype=x.dtype), dst, num_segments=N_NODES)
    mean = agg / jnp.clip(cnt, 1.0, None)[:, None]        # mean aggregation
    out = mean @ W_l.T + b_l + x @ W_r.T                  # lin_l(aggr) + lin_r(x)
    return out

if __name__ == "__main__":
    import jax
    _d = setup_inputs()
    print(jax.jit(kernel)(*tuple(_d.values())))

</pallas_src>

<mosaic_0001>
#map = affine_map<(d0, d1) -> (0, 0)>
#map1 = affine_map<(d0, d1) -> (0)>
#map2 = affine_map<(d0, d1) -> (0, 0, 0)>
module attributes {stable_mosaic.version = 14 : i64} {
  func.func @k(%arg0: i32, %arg1: i32, %arg2: memref<100000x16xf32, #tpu.memory_space<hbm>>, %arg3: memref<25600x128xi32, #tpu.memory_space<hbm>>, %arg4: memref<25600x128xi32, #tpu.memory_space<hbm>>, %arg5: memref<6272x16xf32, #tpu.memory_space<hbm>>, %arg6: memref<6272xf32, #tpu.memory_space<hbm>>, %arg7: memref<2x100352x16xf32, #tpu.memory_space<hbm>>, %arg8: memref<2x100352xf32, #tpu.memory_space<hbm>>, %arg9: memref<8x128xi32, #tpu.memory_space<vmem>>, %arg10: memref<8x128xi32, #tpu.memory_space<vmem>>, %arg11: memref<1024x16xf32, #tpu.memory_space<vmem>>, %arg12: memref<128xf32, #tpu.memory_space<vmem>>, %arg13: memref<100352x16xf32, #tpu.memory_space<vmem_shared>>, %arg14: memref<100352xf32, #tpu.memory_space<vmem_shared>>, %arg15: memref<!tpu.dma_semaphore, #tpu.memory_space<semaphore_mem>>) attributes {dimension_semantics = [#tpu.dimension_semantics<core_parallel>, #tpu.dimension_semantics<subcore_parallel>], iteration_bounds = array<i64: 2, 16>, scalar_prefetch = 0 : i64, scratch_operands = 7 : i64, tpu.core_type = #tpu.core_type<sc_vector_subcore>, window_params = [{transform_indices = #map}, {transform_indices = #map}, {transform_indices = #map}, {transform_indices = #map}, {transform_indices = #map1}, {transform_indices = #map2}, {transform_indices = #map}]} {
    %mul3A = arith.constant 2 : i32
    %mul3A_0 = arith.muli %arg1, %mul3A : i32
    %add3A = arith.addi %mul3A_0, %arg0 : i32
    %broadcast_in_dim3A = arith.constant 1.000000e+00 : f32
    %broadcast_in_dim3A_1 = vector.broadcast %broadcast_in_dim3A : f32 to vector<16xf32>
    %swap3A = arith.constant 0 : index
    %swap3A_2 = tpu.vector_load %arg12[%swap3A] {strides = array<i32>} : memref<128xf32, #tpu.memory_space<vmem>>, vector<16xf32>,
    %swap3A_3 = vector.shape_cast %swap3A_2 : vector<16xf32> to vector<16xf32>
    %swap3A_4 = vector.shape_cast %broadcast_in_dim3A_1 : vector<16xf32> to vector<16xf32>
    tpu.vector_store %arg12[%swap3A], %swap3A_4 {strides = array<i32>} : memref<128xf32, #tpu.memory_space<vmem>>, vector<16xf32>,
    %broadcast_in_dim3A_5 = arith.constant 1.000000e+00 : f32
    %broadcast_in_dim3A_6 = vector.broadcast %broadcast_in_dim3A_5 : f32 to vector<16xf32>
    %swap3A_7 = arith.constant 16 : index
    %swap3A_8 = tpu.vector_load %arg12[%swap3A_7] {strides = array<i32>} : memref<128xf32, #tpu.memory_space<vmem>>, vector<16xf32>,
    %swap3A_9 = vector.shape_cast %swap3A_8 : vector<16xf32> to vector<16xf32>
    %swap3A_10 = vector.shape_cast %broadcast_in_dim3A_6 : vector<16xf32> to vector<16xf32>
    tpu.vector_store %arg12[%swap3A_7], %swap3A_10 {strides = array<i32>} : memref<128xf32, #tpu.memory_space<vmem>>, vector<16xf32>,
    %broadcast_in_dim3A_11 = arith.constant 1.000000e+00 : f32
    %broadcast_in_dim3A_12 = vector.broadcast %broadcast_in_dim3A_11 : f32 to vector<16xf32>
    %swap3A_13 = arith.constant 32 : index
    %swap3A_14 = tpu.vector_load %arg12[%swap3A_13] {strides = array<i32>} : memref<128xf32, #tpu.memory_space<vmem>>, vector<16xf32>,
    %swap3A_15 = vector.shape_cast %swap3A_14 : vector<16xf32> to vector<16xf32>
    %swap3A_16 = vector.shape_cast %broadcast_in_dim3A_12 : vector<16xf32> to vector<16xf32>
    tpu.vector_store %arg12[%swap3A_13], %swap3A_16 {strides = array<i32>} : memref<128xf32, #tpu.memory_space<vmem>>, vector<16xf32>,
    %broadcast_in_dim3A_17 = arith.constant 1.000000e+00 : f32
    %broadcast_in_dim3A_18 = vector.broadcast %broadcast_in_dim3A_17 : f32 to vector<16xf32>
    %swap3A_19 = arith.constant 48 : index
    %swap3A_20 = tpu.vector_load %arg12[%swap3A_19] {strides = array<i32>} : memref<128xf32, #tpu.memory_space<vmem>>, vector<16xf32>,
    %swap3A_21 = vector.shape_cast %swap3A_20 : vector<16xf32> to vector<16xf32>
    %swap3A_22 = vector.shape_cast %broadcast_in_dim3A_18 : vector<16xf32> to vector<16xf32>
    tpu.vector_store %arg12[%swap3A_19], %swap3A_22 {strides = array<i32>} : memref<128xf32, #tpu.memory_space<vmem>>, vector<16xf32>,
    %broadcast_in_dim3A_23 = arith.constant 1.000000e+00 : f32
    %broadcast_in_dim3A_24 = vector.broadcast %broadcast_in_dim3A_23 : f32 to vector<16xf32>
    %swap3A_25 = arith.constant 64 : index
    %swap3A_26 = tpu.vector_load %arg12[%swap3A_25] {strides = array<i32>} : memref<128xf32, #tpu.memory_space<vmem>>, vector<16xf32>,
    %swap3A_27 = vector.shape_cast %swap3A_26 : vector<16xf32> to vector<16xf32>
    %swap3A_28 = vector.shape_cast %broadcast_in_dim3A_24 : vector<16xf32> to vector<16xf32>
    tpu.vector_store %arg12[%swap3A_25], %swap3A_28 {strides = array<i32>} : memref<128xf32, #tpu.memory_space<vmem>>, vector<16xf32>,
    %broadcast_in_dim3A_29 = arith.constant 1.000000e+00 : f32
    %broadcast_in_dim3A_30 = vector.broadcast %broadcast_in_dim3A_29 : f32 to vector<16xf32>
    %swap3A_31 = arith.constant 80 : index
    %swap3A_32 = tpu.vector_load %arg12[%swap3A_31] {strides = array<i32>} : memref<128xf32, #tpu.memory_space<vmem>>, vector<16xf32>,
    %swap3A_33 = vector.shape_cast %swap3A_32 : vector<16xf32> to vector<16xf32>
    %swap3A_34 = vector.shape_cast %broadcast_in_dim3A_30 : vector<16xf32> to vector<16xf32>
    tpu.vector_store %arg12[%swap3A_31], %swap3A_34 {strides = array<i32>} : memref<128xf32, #tpu.memory_space<vmem>>, vector<16xf32>,
    %broadcast_in_dim3A_35 = arith.constant 1.000000e+00 : f32
    %broadcast_in_dim3A_36 = vector.broadcast %broadcast_in_dim3A_35 : f32 to vector<16xf32>
    %swap3A_37 = arith.constant 96 : index
    %swap3A_38 = tpu.vector_load %arg12[%swap3A_37] {strides = array<i32>} : memref<128xf32, #tpu.memory_space<vmem>>, vector<16xf32>,
    %swap3A_39 = vector.shape_cast %swap3A_38 : vector<16xf32> to vector<16xf32>
    %swap3A_40 = vector.shape_cast %broadcast_in_dim3A_36 : vector<16xf32> to vector<16xf32>
    tpu.vector_store %arg12[%swap3A_37], %swap3A_40 {strides = array<i32>} : memref<128xf32, #tpu.memory_space<vmem>>, vector<16xf32>,
    %broadcast_in_dim3A_41 = arith.constant 1.000000e+00 : f32
    %broadcast_in_dim3A_42 = vector.broadcast %broadcast_in_dim3A_41 : f32 to vector<16xf32>
    %swap3A_43 = arith.constant 112 : index
    %swap3A_44 = tpu.vector_load %arg12[%swap3A_43] {strides = array<i32>} : memref<128xf32, #tpu.memory_space<vmem>>, vector<16xf32>,
    %swap3A_45 = vector.shape_cast %swap3A_44 : vector<16xf32> to vector<16xf32>
    %swap3A_46 = vector.shape_cast %broadcast_in_dim3A_42 : vector<16xf32> to vector<16xf32>
    tpu.vector_store %arg12[%swap3A_43], %swap3A_46 {strides = array<i32>} : memref<128xf32, #tpu.memory_space<vmem>>, vector<16xf32>,
    %mul3A_47 = arith.constant 6272 : i32
    %mul3A_48 = arith.muli %arg1, %mul3A_47 : i32
    "tpu.region"() ({
      %run_scoped3A = tpu.sem_alloc : memref<!tpu.dma_semaphore, #tpu.memory_space<semaphore_mem>>
      %dma_start3A = arith.constant 0 : i32
      %dma_start3A_55 = tpu.memref_slice %arg13[%mul3A_48, %dma_start3A] : memref<100352x16xf32, #tpu.memory_space<vmem_shared>> -> memref<6272x16xf32, #tpu.memory_space<vmem_shared>>
      tpu.enqueue_dma source(%arg5 : memref<6272x16xf32, #tpu.memory_space<hbm>>) target(%dma_start3A_55 : memref<6272x16xf32, #tpu.memory_space<vmem_shared>>) target_semaphore(%run_scoped3A : memref<!tpu.dma_semaphore, #tpu.memory_space<semaphore_mem>>)
      %dma_wait3A = arith.constant 0 : i32
      %dma_wait3A_56 = tpu.memref_slice %arg13[%mul3A_48, %dma_wait3A] : memref<100352x16xf32, #tpu.memory_space<vmem_shared>> -> memref<6272x16xf32, #tpu.memory_space<vmem_shared>>
      tpu.wait_dma2 semaphore(%run_scoped3A : memref<!tpu.dma_semaphore, #tpu.memory_space<semaphore_mem>>) src(%arg5 : memref<6272x16xf32, #tpu.memory_space<hbm>>) dst(%dma_wait3A_56 : memref<6272x16xf32, #tpu.memory_space<vmem_shared>>)
      tpu.yield
    }) : () -> ()
    "tpu.region"() ({
      %run_scoped3A = tpu.sem_alloc : memref<!tpu.dma_semaphore, #tpu.memory_space<semaphore_mem>>
      %dma_start3A = tpu.memref_slice %arg14[%mul3A_48] : memref<100352xf32, #tpu.memory_space<vmem_shared>> -> memref<6272xf32, #tpu.memory_space<vmem_shared>>
      tpu.enqueue_dma source(%arg6 : memref<6272xf32, #tpu.memory_space<hbm>>) target(%dma_start3A : memref<6272xf32, #tpu.memory_space<vmem_shared>>) target_semaphore(%run_scoped3A : memref<!tpu.dma_semaphore, #tpu.memory_space<semaphore_mem>>)
      %dma_wait3A = tpu.memref_slice %arg14[%mul3A_48] : memref<100352xf32, #tpu.memory_space<vmem_shared>> -> memref<6272xf32, #tpu.memory_space<vmem_shared>>
      tpu.wait_dma2 semaphore(%run_scoped3A : memref<!tpu.dma_semaphore, #tpu.memory_space<semaphore_mem>>) src(%arg6 : memref<6272xf32, #tpu.memory_space<hbm>>) dst(%dma_wait3A : memref<6272xf32, #tpu.memory_space<vmem_shared>>)
      tpu.yield
    }) : () -> ()
    %barrier3A = arith.constant 0 : index
    tpu.barrier barrier_id(%barrier3A)
    %scan3A = arith.constant 0 : i32
    %scan3A_49 = arith.constant 0 : i32
    %scan3A_50 = arith.constant 100 : i32
    %scan3A_51 = arith.addi %scan3A_49, %scan3A_50 : i32
    %scan3A_52 = arith.constant 1 : i32
    scf.for %scan3A_55 = %scan3A_49 to %scan3A_51 step %scan3A_52  : i32 {
      %mul3A_56 = arith.constant 800 : i32
      %mul3A_57 = arith.muli %add3A, %mul3A_56 : i32
      %mul3A_58 = arith.constant 8 : i32
      %mul3A_59 = arith.muli %scan3A_55, %mul3A_58 : i32
      %add3A_60 = arith.addi %mul3A_57, %mul3A_59 : i32
      "tpu.region"() ({
        %run_scoped3A_234 = tpu.sem_alloc : memref<!tpu.dma_semaphore, #tpu.memory_space<semaphore_mem>>
        %dma_start3A_235 = arith.constant 0 : i32
        %dma_start3A_236 = tpu.memref_slice %arg3[%add3A_60, %dma_start3A_235] : memref<25600x128xi32, #tpu.memory_space<hbm>> -> memref<8x128xi32, #tpu.memory_space<hbm>>
        %dma_start3A_237 = arith.constant 0 : i32
        %dma_start3A_238 = tpu.memref_slice %arg3[%add3A_60, %dma_start3A_237] : memref<25600x128xi32, #tpu.memory_space<hbm>> -> memref<8x128xi32, #tpu.memory_space<hbm>>
        tpu.enqueue_dma source(%dma_start3A_238 : memref<8x128xi32, #tpu.memory_space<hbm>>) target(%arg9 : memref<8x128xi32, #tpu.memory_space<vmem>>) target_semaphore(%run_scoped3A_234 : memref<!tpu.dma_semaphore, #tpu.memory_space<semaphore_mem>>)
        %dma_wait3A_239 = arith.constant 0 : i32
        %dma_wait3A_240 = tpu.memref_slice %arg3[%add3A_60, %dma_wait3A_239] : memref<25600x128xi32, #tpu.memory_space<hbm>> -> memref<8x128xi32, #tpu.memory_space<hbm>>
        %dma_wait3A_241 = arith.constant 0 : i32
        %dma_wait3A_242 = tpu.memref_slice %arg3[%add3A_60, %dma_wait3A_241] : memref<25600x128xi32, #tpu.memory_space<hbm>> -> memref<8x128xi32, #tpu.memory_space<hbm>>
        tpu.wait_dma2 semaphore(%run_scoped3A_234 : memref<!tpu.dma_semaphore, #tpu.memory_space<semaphore_mem>>) src(%dma_wait3A_242 : memref<8x128xi32, #tpu.memory_space<hbm>>) dst(%arg9 : memref<8x128xi32, #tpu.memory_space<vmem>>)
        tpu.yield
      }) : () -> ()
      "tpu.region"() ({
        %run_scoped3A_234 = tpu.sem_alloc : memref<!tpu.dma_semaphore, #tpu.memory_space<semaphore_mem>>
        %dma_start3A_235 = arith.constant 0 : i32
        %dma_start3A_236 = tpu.memref_slice %arg4[%add3A_60, %dma_start3A_235] : memref<25600x128xi32, #tpu.memory_space<hbm>> -> memref<8x128xi32, #tpu.memory_space<hbm>>
        %dma_start3A_237 = arith.constant 0 : i32
        %dma_start3A_238 = tpu.memref_slice %arg4[%add3A_60, %dma_start3A_237] : memref<25600x128xi32, #tpu.memory_space<hbm>> -> memref<8x128xi32, #tpu.memory_space<hbm>>
        tpu.enqueue_dma source(%dma_start3A_238 : memref<8x128xi32, #tpu.memory_space<hbm>>) target(%arg10 : memref<8x128xi32, #tpu.memory_space<vmem>>) target_semaphore(%run_scoped3A_234 : memref<!tpu.dma_semaphore, #tpu.memory_space<semaphore_mem>>)
        %dma_wait3A_239 = arith.constant 0 : i32
        %dma_wait3A_240 = tpu.memref_slice %arg4[%add3A_60, %dma_wait3A_239] : memref<25600x128xi32, #tpu.memory_space<hbm>> -> memref<8x128xi32, #tpu.memory_space<hbm>>
        %dma_wait3A_241 = arith.constant 0 : i32
        %dma_wait3A_242 = tpu.memref_slice %arg4[%add3A_60, %dma_wait3A_241] : memref<25600x128xi32, #tpu.memory_space<hbm>> -> memref<8x128xi32, #tpu.memory_space<hbm>>
        tpu.wait_dma2 semaphore(%run_scoped3A_234 : memref<!tpu.dma_semaphore, #tpu.memory_space<semaphore_mem>>) src(%dma_wait3A_242 : memref<8x128xi32, #tpu.memory_space<hbm>>) dst(%arg10 : memref<8x128xi32, #tpu.memory_space<vmem>>)
        tpu.yield
      }) : () -> ()
      %dma_start3A = arith.constant 0 : i32
      %dma_start3A_61 = arith.constant 0 : i32
      %dma_start3A_62 = arith.constant 0 : i32
      %dma_start3A_63 = tpu.memref_slice %arg11[%dma_start3A_61, %dma_start3A_62] : memref<1024x16xf32, #tpu.memory_space<vmem>> -> memref<128x16xf32, #tpu.memory_space<vmem>>
      %dma_start3A_64 = arith.constant 0 : i32
      %dma_start3A_65 = tpu.memref_slice %arg9[%dma_start3A, %dma_start3A_64] : memref<8x128xi32, #tpu.memory_space<vmem>> -> memref<1x128xi32, #tpu.memory_space<vmem>>
      %dma_start3A_66 = tpu.memref_squeeze %dma_start3A_65 : memref<1x128xi32, #tpu.memory_space<vmem>> -> memref<128xi32, #tpu.memory_space<vmem>>
      %dma_start3A_67 = arith.constant 0 : i32
      %dma_start3A_68 = arith.constant 0 : i32
      %dma_start3A_69 = tpu.memref_slice %arg2[%dma_start3A_67, %dma_start3A_68] : memref<100000x16xf32, #tpu.memory_space<hbm>> -> memref<100000x16xf32, #tpu.memory_space<hbm>>
      tpu.enqueue_indirect_dma source(%dma_start3A_69 : memref<100000x16xf32, #tpu.memory_space<hbm>>) target(%dma_start3A_63 : memref<128x16xf32, #tpu.memory_space<vmem>>) offsets(%dma_start3A_66 : memref<128xi32, #tpu.memory_space<vmem>>) semaphore(%arg15 : memref<!tpu.dma_semaphore, #tpu.memory_space<semaphore_mem>>)
      %dma_start3A_70 = arith.constant 1 : i32
      %dma_start3A_71 = arith.constant 128 : i32
      %dma_start3A_72 = arith.constant 0 : i32
      %dma_start3A_73 = tpu.memref_slice %arg11[%dma_start3A_71, %dma_start3A_72] : memref<1024x16xf32, #tpu.memory_space<vmem>> -> memref<128x16xf32, #tpu.memory_space<vmem>>
      %dma_start3A_74 = arith.constant 0 : i32
      %dma_start3A_75 = tpu.memref_slice %arg9[%dma_start3A_70, %dma_start3A_74] : memref<8x128xi32, #tpu.memory_space<vmem>> -> memref<1x128xi32, #tpu.memory_space<vmem>>
      %dma_start3A_76 = tpu.memref_squeeze %dma_start3A_75 : memref<1x128xi32, #tpu.memory_space<vmem>> -> memref<128xi32, #tpu.memory_space<vmem>>
      %dma_start3A_77 = arith.constant 0 : i32
      %dma_start3A_78 = arith.constant 0 : i32
      %dma_start3A_79 = tpu.memref_slice %arg2[%dma_start3A_77, %dma_start3A_78] : memref<100000x16xf32, #tpu.memory_space<hbm>> -> memref<100000x16xf32, #tpu.memory_space<hbm>>
      tpu.enqueue_indirect_dma source(%dma_start3A_79 : memref<100000x16xf32, #tpu.memory_space<hbm>>) target(%dma_start3A_73 : memref<128x16xf32, #tpu.memory_space<vmem>>) offsets(%dma_start3A_76 : memref<128xi32, #tpu.memory_space<vmem>>) semaphore(%arg15 : memref<!tpu.dma_semaphore, #tpu.memory_space<semaphore_mem>>)
      %dma_start3A_80 = arith.constant 2 : i32
      %dma_start3A_81 = arith.constant 256 : i32
      %dma_start3A_82 = arith.constant 0 : i32
      %dma_start3A_83 = tpu.memref_slice %arg11[%dma_start3A_81, %dma_start3A_82] : memref<1024x16xf32, #tpu.memory_space<vmem>> -> memref<128x16xf32, #tpu.memory_space<vmem>>
      %dma_start3A_84 = arith.constant 0 : i32
      %dma_start3A_85 = tpu.memref_slice %arg9[%dma_start3A_80, %dma_start3A_84] : memref<8x128xi32, #tpu.memory_space<vmem>> -> memref<1x128xi32, #tpu.memory_space<vmem>>
      %dma_start3A_86 = tpu.memref_squeeze %dma_start3A_85 : memref<1x128xi32, #tpu.memory_space<vmem>> -> memref<128xi32, #tpu.memory_space<vmem>>
      %dma_start3A_87 = arith.constant 0 : i32
      %dma_start3A_88 = arith.constant 0 : i32
      %dma_start3A_89 = tpu.memref_slice %arg2[%dma_start3A_87, %dma_start3A_88] : memref<100000x16xf32, #tpu.memory_space<hbm>> -> memref<100000x16xf32, #tpu.memory_space<hbm>>
      tpu.enqueue_indirect_dma source(%dma_start3A_89 : memref<100000x16xf32, #tpu.memory_space<hbm>>) target(%dma_start3A_83 : memref<128x16xf32, #tpu.memory_space<vmem>>) offsets(%dma_start3A_86 : memref<128xi32, #tpu.memory_space<vmem>>) semaphore(%arg15 : memref<!tpu.dma_semaphore, #tpu.memory_space<semaphore_mem>>)
      %dma_start3A_90 = arith.constant 3 : i32
      %dma_start3A_91 = arith.constant 384 : i32
      %dma_start3A_92 = arith.constant 0 : i32
      %dma_start3A_93 = tpu.memref_slice %arg11[%dma_start3A_91, %dma_start3A_92] : memref<1024x16xf32, #tpu.memory_space<vmem>> -> memref<128x16xf32, #tpu.memory_space<vmem>>
      %dma_start3A_94 = arith.constant 0 : i32
      %dma_start3A_95 = tpu.memref_slice %arg9[%dma_start3A_90, %dma_start3A_94] : memref<8x128xi32, #tpu.memory_space<vmem>> -> memref<1x128xi32, #tpu.memory_space<vmem>>
      %dma_start3A_96 = tpu.memref_squeeze %dma_start3A_95 : memref<1x128xi32, #tpu.memory_space<vmem>> -> memref<128xi32, #tpu.memory_space<vmem>>
      %dma_start3A_97 = arith.constant 0 : i32
      %dma_start3A_98 = arith.constant 0 : i32
      %dma_start3A_99 = tpu.memref_slice %arg2[%dma_start3A_97, %dma_start3A_98] : memref<100000x16xf32, #tpu.memory_space<hbm>> -> memref<100000x16xf32, #tpu.memory_space<hbm>>
      tpu.enqueue_indirect_dma source(%dma_start3A_99 : memref<100000x16xf32, #tpu.memory_space<hbm>>) target(%dma_start3A_93 : memref<128x16xf32, #tpu.memory_space<vmem>>) offsets(%dma_start3A_96 : memref<128xi32, #tpu.memory_space<vmem>>) semaphore(%arg15 : memref<!tpu.dma_semaphore, #tpu.memory_space<semaphore_mem>>)
      %dma_start3A_100 = arith.constant 4 : i32
      %dma_start3A_101 = arith.constant 512 : i32
      %dma_start3A_102 = arith.constant 0 : i32
      %dma_start3A_103 = tpu.memref_slice %arg11[%dma_start3A_101, %dma_start3A_102] : memref<1024x16xf32, #tpu.memory_space<vmem>> -> memref<128x16xf32, #tpu.memory_space<vmem>>
      %dma_start3A_104 = arith.constant 0 : i32
      %dma_start3A_105 = tpu.memref_slice %arg9[%dma_start3A_100, %dma_start3A_104] : memref<8x128xi32, #tpu.memory_space<vmem>> -> memref<1x128xi32, #tpu.memory_space<vmem>>
      %dma_start3A_106 = tpu.memref_squeeze %dma_start3A_105 : memref<1x128xi32, #tpu.memory_space<vmem>> -> memref<128xi32, #tpu.memory_space<vmem>>
      %dma_start3A_107 = arith.constant 0 : i32
      %dma_start3A_108 = arith.constant 0 : i32
      %dma_start3A_109 = tpu.memref_slice %arg2[%dma_start3A_107, %dma_start3A_108] : memref<100000x16xf32, #tpu.memory_space<hbm>> -> memref<100000x16xf32, #tpu.memory_space<hbm>>
      tpu.enqueue_indirect_dma source(%dma_start3A_109 : memref<100000x16xf32, #tpu.memory_space<hbm>>) target(%dma_start3A_103 : memref<128x16xf32, #tpu.memory_space<vmem>>) offsets(%dma_start3A_106 : memref<128xi32, #tpu.memory_space<vmem>>) semaphore(%arg15 : memref<!tpu.dma_semaphore, #tpu.memory_space<semaphore_mem>>)
      %dma_start3A_110 = arith.constant 5 : i32
      %dma_start3A_111 = arith.constant 640 : i32
      %dma_start3A_112 = arith.constant 0 : i32
      %dma_start3A_113 = tpu.memref_slice %arg11[%dma_start3A_111, %dma_start3A_112] : memref<1024x16xf32, #tpu.memory_space<vmem>> -> memref<128x16xf32, #tpu.memory_space<vmem>>
      %dma_start3A_114 = arith.constant 0 : i32
      %dma_start3A_115 = tpu.memref_slice %arg9[%dma_start3A_110, %dma_start3A_114] : memref<8x128xi32, #tpu.memory_space<vmem>> -> memref<1x128xi32, #tpu.memory_space<vmem>>
      %dma_start3A_116 = tpu.memref_squeeze %dma_start3A_115 : memref<1x128xi32, #tpu.memory_space<vmem>> -> memref<128xi32, #tpu.memory_space<vmem>>
      %dma_start3A_117 = arith.constant 0 : i32
      %dma_start3A_118 = arith.constant 0 : i32
      %dma_start3A_119 = tpu.memref_slice %arg2[%dma_start3A_117, %dma_start3A_118] : memref<100000x16xf32, #tpu.memory_space<hbm>> -> memref<100000x16xf32, #tpu.memory_space<hbm>>
      tpu.enqueue_indirect_dma source(%dma_start3A_119 : memref<100000x16xf32, #tpu.memory_space<hbm>>) target(%dma_start3A_113 : memref<128x16xf32, #tpu.memory_space<vmem>>) offsets(%dma_start3A_116 : memref<128xi32, #tpu.memory_space<vmem>>) semaphore(%arg15 : memref<!tpu.dma_semaphore, #tpu.memory_space<semaphore_mem>>)
      %dma_start3A_120 = arith.constant 6 : i32
      %dma_start3A_121 = arith.constant 768 : i32
      %dma_start3A_122 = arith.constant 0 : i32
      %dma_start3A_123 = tpu.memref_slice %arg11[%dma_start3A_121, %dma_start3A_122] : memref<1024x16xf32, #tpu.memory_space<vmem>> -> memref<128x16xf32, #tpu.memory_space<vmem>>
      %dma_start3A_124 = arith.constant 0 : i32
      %dma_start3A_125 = tpu.memref_slice %arg9[%dma_start3A_120, %dma_start3A_124] : memref<8x128xi32, #tpu.memory_space<vmem>> -> memref<1x128xi32, #tpu.memory_space<vmem>>
      %dma_start3A_126 = tpu.memref_squeeze %dma_start3A_125 : memref<1x128xi32, #tpu.memory_space<vmem>> -> memref<128xi32, #tpu.memory_space<vmem>>
      %dma_start3A_127 = arith.constant 0 : i32
      %dma_start3A_128 = arith.constant 0 : i32
      %dma_start3A_129 = tpu.memref_slice %arg2[%dma_start3A_127, %dma_start3A_128] : memref<100000x16xf32, #tpu.memory_space<hbm>> -> memref<100000x16xf32, #tpu.memory_space<hbm>>
      tpu.enqueue_indirect_dma source(%dma_start3A_129 : memref<100000x16xf32, #tpu.memory_space<hbm>>) target(%dma_start3A_123 : memref<128x16xf32, #tpu.memory_space<vmem>>) offsets(%dma_start3A_126 : memref<128xi32, #tpu.memory_space<vmem>>) semaphore(%arg15 : memref<!tpu.dma_semaphore, #tpu.memory_space<semaphore_mem>>)
      %dma_start3A_130 = arith.constant 7 : i32
      %dma_start3A_131 = arith.constant 896 : i32
      %dma_start3A_132 = arith.constant 0 : i32
      %dma_start3A_133 = tpu.memref_slice %arg11[%dma_start3A_131, %dma_start3A_132] : memref<1024x16xf32, #tpu.memory_space<vmem>> -> memref<128x16xf32, #tpu.memory_space<vmem>>
      %dma_start3A_134 = arith.constant 0 : i32
      %dma_start3A_135 = tpu.memref_slice %arg9[%dma_start3A_130, %dma_start3A_134] : memref<8x128xi32, #tpu.memory_space<vmem>> -> memref<1x128xi32, #tpu.memory_space<vmem>>
      %dma_start3A_136 = tpu.memref_squeeze %dma_start3A_135 : memref<1x128xi32, #tpu.memory_space<vmem>> -> memref<128xi32, #tpu.memory_space<vmem>>
      %dma_start3A_137 = arith.constant 0 : i32
      %dma_start3A_138 = arith.constant 0 : i32
      %dma_start3A_139 = tpu.memref_slice %arg2[%dma_start3A_137, %dma_start3A_138] : memref<100000x16xf32, #tpu.memory_space<hbm>> -> memref<100000x16xf32, #tpu.memory_space<hbm>>
      tpu.enqueue_indirect_dma source(%dma_start3A_139 : memref<100000x16xf32, #tpu.memory_space<hbm>>) target(%dma_start3A_133 : memref<128x16xf32, #tpu.memory_space<vmem>>) offsets(%dma_start3A_136 : memref<128xi32, #tpu.memory_space<vmem>>) semaphore(%arg15 : memref<!tpu.dma_semaphore, #tpu.memory_space<semaphore_mem>>)
      %dma_wait3A = arith.constant 0 : i32
      %dma_wait3A_140 = arith.constant 0 : i32
      %dma_wait3A_141 = arith.constant 0 : i32
      %dma_wait3A_142 = tpu.memref_slice %arg11[%dma_wait3A_140, %dma_wait3A_141] : memref<1024x16xf32, #tpu.memory_space<vmem>> -> memref<128x16xf32, #tpu.memory_space<vmem>>
      %dma_wait3A_143 = arith.constant 0 : i32
      %dma_wait3A_144 = tpu.memref_slice %arg9[%dma_wait3A, %dma_wait3A_143] : memref<8x128xi32, #tpu.memory_space<vmem>> -> memref<1x128xi32, #tpu.memory_space<vmem>>
      %dma_wait3A_145 = tpu.memref_squeeze %dma_wait3A_144 : memref<1x128xi32, #tpu.memory_space<vmem>> -> memref<128xi32, #tpu.memory_space<vmem>>
      %dma_wait3A_146 = arith.constant 0 : i32
      %dma_wait3A_147 = arith.constant 0 : i32
      %dma_wait3A_148 = tpu.memref_slice %arg2[%dma_wait3A_146, %dma_wait3A_147] : memref<100000x16xf32, #tpu.memory_space<hbm>> -> memref<100000x16xf32, #tpu.memory_space<hbm>>
      tpu.wait_indirect_dma semaphore(%arg15 : memref<!tpu.dma_semaphore, #tpu.memory_space<semaphore_mem>>) src(%dma_wait3A_148 : memref<100000x16xf32, #tpu.memory_space<hbm>>) dst(%dma_wait3A_142 : memref<128x16xf32, #tpu.memory_space<vmem>>)
      %dma_wait3A_149 = arith.constant 1 : i32
      %dma_wait3A_150 = arith.constant 128 : i32
      %dma_wait3A_151 = arith.constant 0 : i32
      %dma_wait3A_152 = tpu.memref_slice %arg11[%dma_wait3A_150, %dma_wait3A_151] : memref<1024x16xf32, #tpu.memory_space<vmem>> -> memref<128x16xf32, #tpu.memory_space<vmem>>
      %dma_wait3A_153 = arith.constant 0 : i32
      %dma_wait3A_154 = tpu.memref_slice %arg9[%dma_wait3A_149, %dma_wait3A_153] : memref<8x128xi32, #tpu.memory_space<vmem>> -> memref<1x128xi32, #tpu.memory_space<vmem>>
      %dma_wait3A_155 = tpu.memref_squeeze %dma_wait3A_154 : memref<1x128xi32, #tpu.memory_space<vmem>> -> memref<128xi32, #tpu.memory_space<vmem>>
      %dma_wait3A_156 = arith.constant 0 : i32
      %dma_wait3A_157 = arith.constant 0 : i32
      %dma_wait3A_158 = tpu.memref_slice %arg2[%dma_wait3A_156, %dma_wait3A_157] : memref<100000x16xf32, #tpu.memory_space<hbm>> -> memref<100000x16xf32, #tpu.memory_space<hbm>>
      tpu.wait_indirect_dma semaphore(%arg15 : memref<!tpu.dma_semaphore, #tpu.memory_space<semaphore_mem>>) src(%dma_wait3A_158 : memref<100000x16xf32, #tpu.memory_space<hbm>>) dst(%dma_wait3A_152 : memref<128x16xf32, #tpu.memory_space<vmem>>)
      %dma_wait3A_159 = arith.constant 2 : i32
      %dma_wait3A_160 = arith.constant 256 : i32
      %dma_wait3A_161 = arith.constant 0 : i32
      %dma_wait3A_162 = tpu.memref_slice %arg11[%dma_wait3A_160, %dma_wait3A_161] : memref<1024x16xf32, #tpu.memory_space<vmem>> -> memref<128x16xf32, #tpu.memory_space<vmem>>
      %dma_wait3A_163 = arith.constant 0 : i32
      %dma_wait3A_164 = tpu.memref_slice %arg9[%dma_wait3A_159, %dma_wait3A_163] : memref<8x128xi32, #tpu.memory_space<vmem>> -> memref<1x128xi32, #tpu.memory_space<vmem>>
      %dma_wait3A_165 = tpu.memref_squeeze %dma_wait3A_164 : memref<1x128xi32, #tpu.memory_space<vmem>> -> memref<128xi32, #tpu.memory_space<vmem>>
      %dma_wait3A_166 = arith.constant 0 : i32
      %dma_wait3A_167 = arith.constant 0 : i32
      %dma_wait3A_168 = tpu.memref_slice %arg2[%dma_wait3A_166, %dma_wait3A_167] : memref<100000x16xf32, #tpu.memory_space<hbm>> -> memref<100000x16xf32, #tpu.memory_space<hbm>>
      tpu.wait_indirect_dma semaphore(%arg15 : memref<!tpu.dma_semaphore, #tpu.memory_space<semaphore_mem>>) src(%dma_wait3A_168 : memref<100000x16xf32, #tpu.memory_space<hbm>>) dst(%dma_wait3A_162 : memref<128x16xf32, #tpu.memory_space<vmem>>)
      %dma_wait3A_169 = arith.constant 3 : i32
      %dma_wait3A_170 = arith.constant 384 : i32
      %dma_wait3A_171 = arith.constant 0 : i32
      %dma_wait3A_172 = tpu.memref_slice %arg11[%dma_wait3A_170, %dma_wait3A_171] : memref<1024x16xf32, #tpu.memory_space<vmem>> -> memref<128x16xf32, #tpu.memory_space<vmem>>
      %dma_wait3A_173 = arith.constant 0 : i32
      %dma_wait3A_174 = tpu.memref_slice %arg9[%dma_wait3A_169, %dma_wait3A_173] : memref<8x128xi32, #tpu.memory_space<vmem>> -> memref<1x128xi32, #tpu.memory_space<vmem>>
      %dma_wait3A_175 = tpu.memref_squeeze %dma_wait3A_174 : memref<1x128xi32, #tpu.memory_space<vmem>> -> memref<128xi32, #tpu.memory_space<vmem>>
      %dma_wait3A_176 = arith.constant 0 : i32
      %dma_wait3A_177 = arith.constant 0 : i32
      %dma_wait3A_178 = tpu.memref_slice %arg2[%dma_wait3A_176, %dma_wait3A_177] : memref<100000x16xf32, #tpu.memory_space<hbm>> -> memref<100000x16xf32, #tpu.memory_space<hbm>>
      tpu.wait_indirect_dma semaphore(%arg15 : memref<!tpu.dma_semaphore, #tpu.memory_space<semaphore_mem>>) src(%dma_wait3A_178 : memref<100000x16xf32, #tpu.memory_space<hbm>>) dst(%dma_wait3A_172 : memref<128x16xf32, #tpu.memory_space<vmem>>)
      %dma_wait3A_179 = arith.constant 4 : i32
      %dma_wait3A_180 = arith.constant 512 : i32
      %dma_wait3A_181 = arith.constant 0 : i32
      %dma_wait3A_182 = tpu.memref_slice %arg11[%dma_wait3A_180, %dma_wait3A_181] : memref<1024x16xf32, #tpu.memory_space<vmem>> -> memref<128x16xf32, #tpu.memory_space<vmem>>
      %dma_wait3A_183 = arith.constant 0 : i32
      %dma_wait3A_184 = tpu.memref_slice %arg9[%dma_wait3A_179, %dma_wait3A_183] : memref<8x128xi32, #tpu.memory_space<vmem>> -> memref<1x128xi32, #tpu.memory_space<vmem>>
      %dma_wait3A_185 = tpu.memref_squeeze %dma_wait3A_184 : memref<1x128xi32, #tpu.memory_space<vmem>> -> memref<128xi32, #tpu.memory_space<vmem>>
      %dma_wait3A_186 = arith.constant 0 : i32
      %dma_wait3A_187 = arith.constant 0 : i32
      %dma_wait3A_188 = tpu.memref_slice %arg2[%dma_wait3A_186, %dma_wait3A_187] : memref<100000x16xf32, #tpu.memory_space<hbm>> -> memref<100000x16xf32, #tpu.memory_space<hbm>>
      tpu.wait_indirect_dma semaphore(%arg15 : memref<!tpu.dma_semaphore, #tpu.memory_space<semaphore_mem>>) src(%dma_wait3A_188 : memref<100000x16xf32, #tpu.memory_space<hbm>>) dst(%dma_wait3A_182 : memref<128x16xf32, #tpu.memory_space<vmem>>)
      %dma_wait3A_189 = arith.constant 5 : i32
      %dma_wait3A_190 = arith.constant 640 : i32
      %dma_wait3A_191 = arith.constant 0 : i32
      %dma_wait3A_192 = tpu.memref_slice %arg11[%dma_wait3A_190, %dma_wait3A_191] : memref<1024x16xf32, #tpu.memory_space<vmem>> -> memref<128x16xf32, #tpu.memory_space<vmem>>
      %dma_wait3A_193 = arith.constant 0 : i32
      %dma_wait3A_194 = tpu.memref_slice %arg9[%dma_wait3A_189, %dma_wait3A_193] : memref<8x128xi32, #tpu.memory_space<vmem>> -> memref<1x128xi32, #tpu.memory_space<vmem>>
      %dma_wait3A_195 = tpu.memref_squeeze %dma_wait3A_194 : memref<1x128xi32, #tpu.memory_space<vmem>> -> memref<128xi32, #tpu.memory_space<vmem>>
      %dma_wait3A_196 = arith.constant 0 : i32
      %dma_wait3A_197 = arith.constant 0 : i32
      %dma_wait3A_198 = tpu.memref_slice %arg2[%dma_wait3A_196, %dma_wait3A_197] : memref<100000x16xf32, #tpu.memory_space<hbm>> -> memref<100000x16xf32, #tpu.memory_space<hbm>>
      tpu.wait_indirect_dma semaphore(%arg15 : memref<!tpu.dma_semaphore, #tpu.memory_space<semaphore_mem>>) src(%dma_wait3A_198 : memref<100000x16xf32, #tpu.memory_space<hbm>>) dst(%dma_wait3A_192 : memref<128x16xf32, #tpu.memory_space<vmem>>)
      %dma_wait3A_199 = arith.constant 6 : i32
      %dma_wait3A_200 = arith.constant 768 : i32
      %dma_wait3A_201 = arith.constant 0 : i32
      %dma_wait3A_202 = tpu.memref_slice %arg11[%dma_wait3A_200, %dma_wait3A_201] : memref<1024x16xf32, #tpu.memory_space<vmem>> -> memref<128x16xf32, #tpu.memory_space<vmem>>
      %dma_wait3A_203 = arith.constant 0 : i32
      %dma_wait3A_204 = tpu.memref_slice %arg9[%dma_wait3A_199, %dma_wait3A_203] : memref<8x128xi32, #tpu.memory_space<vmem>> -> memref<1x128xi32, #tpu.memory_space<vmem>>
      %dma_wait3A_205 = tpu.memref_squeeze %dma_wait3A_204 : memref<1x128xi32, #tpu.memory_space<vmem>> -> memref<128xi32, #tpu.memory_space<vmem>>
      %dma_wait3A_206 = arith.constant 0 : i32
      %dma_wait3A_207 = arith.constant 0 : i32
      %dma_wait3A_208 = tpu.memref_slice %arg2[%dma_wait3A_206, %dma_wait3A_207] : memref<100000x16xf32, #tpu.memory_space<hbm>> -> memref<100000x16xf32, #tpu.memory_space<hbm>>
      tpu.wait_indirect_dma semaphore(%arg15 : memref<!tpu.dma_semaphore, #tpu.memory_space<semaphore_mem>>) src(%dma_wait3A_208 : memref<100000x16xf32, #tpu.memory_space<hbm>>) dst(%dma_wait3A_202 : memref<128x16xf32, #tpu.memory_space<vmem>>)
      %dma_wait3A_209 = arith.constant 7 : i32
      %dma_wait3A_210 = arith.constant 896 : i32
      %dma_wait3A_211 = arith.constant 0 : i32
      %dma_wait3A_212 = tpu.memref_slice %arg11[%dma_wait3A_210, %dma_wait3A_211] : memref<1024x16xf32, #tpu.memory_space<vmem>> -> memref<128x16xf32, #tpu.memory_space<vmem>>
      %dma_wait3A_213 = arith.constant 0 : i32
      %dma_wait3A_214 = tpu.memref_slice %arg9[%dma_wait3A_209, %dma_wait3A_213] : memref<8x128xi32, #tpu.memory_space<vmem>> -> memref<1x128xi32, #tpu.memory_space<vmem>>
      %dma_wait3A_215 = tpu.memref_squeeze %dma_wait3A_214 : memref<1x128xi32, #tpu.memory_space<vmem>> -> memref<128xi32, #tpu.memory_space<vmem>>
      %dma_wait3A_216 = arith.constant 0 : i32
      %dma_wait3A_217 = arith.constant 0 : i32
      %dma_wait3A_218 = tpu.memref_slice %arg2[%dma_wait3A_216, %dma_wait3A_217] : memref<100000x16xf32, #tpu.memory_space<hbm>> -> memref<100000x16xf32, #tpu.memory_space<hbm>>
      tpu.wait_indirect_dma semaphore(%arg15 : memref<!tpu.dma_semaphore, #tpu.memory_space<semaphore_mem>>) src(%dma_wait3A_218 : memref<100000x16xf32, #tpu.memory_space<hbm>>) dst(%dma_wait3A_212 : memref<128x16xf32, #tpu.memory_space<vmem>>)
      %run_scoped3A = arith.constant 0 : i32
      "tpu.region"() ({
        %run_scoped3A_234 = tpu.sem_alloc : memref<!tpu.dma_semaphore, #tpu.memory_space<semaphore_mem>>
        %dma_start3A_235 = arith.constant 0 : i32
        %dma_start3A_236 = arith.constant 0 : i32
        %dma_start3A_237 = tpu.memref_slice %arg11[%dma_start3A_235, %dma_start3A_236] : memref<1024x16xf32, #tpu.memory_space<vmem>> -> memref<128x16xf32, #tpu.memory_space<vmem>>
        %dma_start3A_238 = arith.constant 0 : i32
        %dma_start3A_239 = tpu.memref_slice %arg10[%run_scoped3A, %dma_start3A_238] : memref<8x128xi32, #tpu.memory_space<vmem>> -> memref<1x128xi32, #tpu.memory_space<vmem>>
        %dma_start3A_240 = tpu.memref_squeeze %dma_start3A_239 : memref<1x128xi32, #tpu.memory_space<vmem>> -> memref<128xi32, #tpu.memory_space<vmem>>
        %dma_start3A_241 = arith.constant 0 : i32
        %dma_start3A_242 = arith.constant 0 : i32
        %dma_start3A_243 = tpu.memref_slice %arg13[%dma_start3A_241, %dma_start3A_242] : memref<100352x16xf32, #tpu.memory_space<vmem_shared>> -> memref<100352x16xf32, #tpu.memory_space<vmem_shared>>
        tpu.enqueue_indirect_dma source(%dma_start3A_237 : memref<128x16xf32, #tpu.memory_space<vmem>>) target(%dma_start3A_243 : memref<100352x16xf32, #tpu.memory_space<vmem_shared>>) offsets(%dma_start3A_240 : memref<128xi32, #tpu.memory_space<vmem>>) semaphore(%run_scoped3A_234 : memref<!tpu.dma_semaphore, #tpu.memory_space<semaphore_mem>>) {add = true}
        %dma_wait3A_244 = arith.constant 0 : i32
        %dma_wait3A_245 = arith.constant 0 : i32
        %dma_wait3A_246 = tpu.memref_slice %arg11[%dma_wait3A_244, %dma_wait3A_245] : memref<1024x16xf32, #tpu.memory_space<vmem>> -> memref<128x16xf32, #tpu.memory_space<vmem>>
        %dma_wait3A_247 = arith.constant 0 : i32
        %dma_wait3A_248 = tpu.memref_slice %arg10[%run_scoped3A, %dma_wait3A_247] : memref<8x128xi32, #tpu.memory_space<vmem>> -> memref<1x128xi32, #tpu.memory_space<vmem>>
        %dma_wait3A_249 = tpu.memref_squeeze %dma_wait3A_248 : memref<1x128xi32, #tpu.memory_space<vmem>> -> memref<128xi32, #tpu.memory_space<vmem>>
        %dma_wait3A_250 = arith.constant 0 : i32
        %dma_wait3A_251 = arith.constant 0 : i32
        %dma_wait3A_252 = tpu.memref_slice %arg13[%dma_wait3A_250, %dma_wait3A_251] : memref<100352x16xf32, #tpu.memory_space<vmem_shared>> -> memref<100352x16xf32, #tpu.memory_space<vmem_shared>>
        tpu.wait_indirect_dma semaphore(%run_scoped3A_234 : memref<!tpu.dma_semaphore, #tpu.memory_space<semaphore_mem>>) src(%dma_wait3A_246 : memref<128x16xf32, #tpu.memory_space<vmem>>) dst(%dma_wait3A_252 : memref<100352x16xf32, #tpu.memory_space<vmem_shared>>)
        tpu.yield
      }) : () -> ()
      %run_scoped3A_219 = arith.constant 0 : i32
      "tpu.region"() ({
        %run_scoped3A_234 = tpu.sem_alloc : memref<!tpu.dma_semaphore, #tpu.memory_space<semaphore_mem>>
        %dma_start3A_235 = arith.constant 0 : i32
        %dma_start3A_236 = tpu.memref_slice %arg10[%run_scoped3A_219, %dma_start3A_235] : memref<8x128xi32, #tpu.memory_space<vmem>> -> memref<1x128xi32, #tpu.memory_space<vmem>>
        %dma_start3A_237 = tpu.memref_squeeze %dma_start3A_236 : memref<1x128xi32, #tpu.memory_space<vmem>> -> memref<128xi32, #tpu.memory_space<vmem>>
        %dma_start3A_238 = arith.constant 0 : i32
        %dma_start3A_239 = tpu.memref_slice %arg14[%dma_start3A_238] : memref<100352xf32, #tpu.memory_space<vmem_shared>> -> memref<100352xf32, #tpu.memory_space<vmem_shared>>
        tpu.enqueue_indirect_dma source(%arg12 : memref<128xf32, #tpu.memory_space<vmem>>) target(%dma_start3A_239 : memref<100352xf32, #tpu.memory_space<vmem_shared>>) offsets(%dma_start3A_237 : memref<128xi32, #tpu.memory_space<vmem>>) semaphore(%run_scoped3A_234 : memref<!tpu.dma_semaphore, #tpu.memory_space<semaphore_mem>>) {add = true}
        %dma_wait3A_240 = arith.constant 0 : i32
        %dma_wait3A_241 = tpu.memref_slice %arg10[%run_scoped3A_219, %dma_wait3A_240] : memref<8x128xi32, #tpu.memory_space<vmem>> -> memref<1x128xi32, #tpu.memory_space<vmem>>
        %dma_wait3A_242 = tpu.memref_squeeze %dma_wait3A_241 : memref<1x128xi32, #tpu.memory_space<vmem>> -> memref<128xi32, #tpu.memory_space<vmem>>
        %dma_wait3A_243 = arith.constant 0 : i32
        %dma_wait3A_244 = tpu.memref_slice %arg14[%dma_wait3A_243] : memref<100352xf32, #tpu.memory_space<vmem_shared>> -> memref<100352xf32, #tpu.memory_space<vmem_shared>>
        tpu.wait_indirect_dma semaphore(%run_scoped3A_234 : memref<!tpu.dma_semaphore, #tpu.memory_space<semaphore_mem>>) src(%arg12 : memref<128xf32, #tpu.memory_space<vmem>>) dst(%dma_wait3A_244 : memref<100352xf32, #tpu.memory_space<vmem_shared>>)
        tpu.yield
      }) : () -> ()
      %run_scoped3A_220 = arith.constant 1 : i32
      "tpu.region"() ({
        %run_scoped3A_234 = tpu.sem_alloc : memref<!tpu.dma_semaphore, #tpu.memory_space<semaphore_mem>>
        %dma_start3A_235 = arith.constant 128 : i32
        %dma_start3A_236 = arith.constant 0 : i32
        %dma_start3A_237 = tpu.memref_slice %arg11[%dma_start3A_235, %dma_start3A_236] : memref<1024x16xf32, #tpu.memory_space<vmem>> -> memref<128x16xf32, #tpu.memory_space<vmem>>
        %dma_start3A_238 = arith.constant 0 : i32
        %dma_start3A_239 = tpu.memref_slice %arg10[%run_scoped3A_220, %dma_start3A_238] : memref<8x128xi32, #tpu.memory_space<vmem>> -> memref<1x128xi32, #tpu.memory_space<vmem>>
        %dma_start3A_240 = tpu.memref_squeeze %dma_start3A_239 : memref<1x128xi32, #tpu.memory_space<vmem>> -> memref<128xi32, #tpu.memory_space<vmem>>
        %dma_start3A_241 = arith.constant 0 : i32
        %dma_start3A_242 = arith.constant 0 : i32
        %dma_start3A_243 = tpu.memref_slice %arg13[%dma_start3A_241, %dma_start3A_242] : memref<100352x16xf32, #tpu.memory_space<vmem_shared>> -> memref<100352x16xf32, #tpu.memory_space<vmem_shared>>
        tpu.enqueue_indirect_dma source(%dma_start3A_237 : memref<128x16xf32, #tpu.memory_space<vmem>>) target(%dma_start3A_243 : memref<100352x16xf32, #tpu.memory_space<vmem_shared>>) offsets(%dma_start3A_240 : memref<128xi32, #tpu.memory_space<vmem>>) semaphore(%run_scoped3A_234 : memref<!tpu.dma_semaphore, #tpu.memory_space<semaphore_mem>>) {add = true}
        %dma_wait3A_244 = arith.constant 128 : i32
        %dma_wait3A_245 = arith.constant 0 : i32
        %dma_wait3A_246 = tpu.memref_slice %arg11[%dma_wait3A_244, %dma_wait3A_245] : memref<1024x16xf32, #tpu.memory_space<vmem>> -> memref<128x16xf32, #tpu.memory_space<vmem>>
        %dma_wait3A_247 = arith.constant 0 : i32
        %dma_wait3A_248 = tpu.memref_slice %arg10[%run_scoped3A_220, %dma_wait3A_247] : memref<8x128xi32, #tpu.memory_space<vmem>> -> memref<1x128xi32, #tpu.memory_space<vmem>>
        %dma_wait3A_249 = tpu.memref_squeeze %dma_wait3A_248 : memref<1x128xi32, #tpu.memory_space<vmem>> -> memref<128xi32, #tpu.memory_space<vmem>>
        %dma_wait3A_250 = arith.constant 0 : i32
        %dma_wait3A_251 = arith.constant 0 : i32
        %dma_wait3A_252 = tpu.memref_slice %arg13[%dma_wait3A_250, %dma_wait3A_251] : memref<100352x16xf32, #tpu.memory_space<vmem_shared>> -> memref<100352x16xf32, #tpu.memory_space<vmem_shared>>
        tpu.wait_indirect_dma semaphore(%run_scoped3A_234 : memref<!tpu.dma_semaphore, #tpu.memory_space<semaphore_mem>>) src(%dma_wait3A_246 : memref<128x16xf32, #tpu.memory_space<vmem>>) dst(%dma_wait3A_252 : memref<100352x16xf32, #tpu.memory_space<vmem_shared>>)
        tpu.yield
      }) : () -> ()
      %run_scoped3A_221 = arith.constant 1 : i32
      "tpu.region"() ({
        %run_scoped3A_234 = tpu.sem_alloc : memref<!tpu.dma_semaphore, #tpu.memory_space<semaphore_mem>>
        %dma_start3A_235 = arith.constant 0 : i32
        %dma_start3A_236 = tpu.memref_slice %arg10[%run_scoped3A_221, %dma_start3A_235] : memref<8x128xi32, #tpu.memory_space<vmem>> -> memref<1x128xi32, #tpu.memory_space<vmem>>
        %dma_start3A_237 = tpu.memref_squeeze %dma_start3A_236 : memref<1x128xi32, #tpu.memory_space<vmem>> -> memref<128xi32, #tpu.memory_space<vmem>>
        %dma_start3A_238 = arith.constant 0 : i32
        %dma_start3A_239 = tpu.memref_slice %arg14[%dma_start3A_238] : memref<100352xf32, #tpu.memory_space<vmem_shared>> -> memref<100352xf32, #tpu.memory_space<vmem_shared>>
        tpu.enqueue_indirect_dma source(%arg12 : memref<128xf32, #tpu.memory_space<vmem>>) target(%dma_start3A_239 : memref<100352xf32, #tpu.memory_space<vmem_shared>>) offsets(%dma_start3A_237 : memref<128xi32, #tpu.memory_space<vmem>>) semaphore(%run_scoped3A_234 : memref<!tpu.dma_semaphore, #tpu.memory_space<semaphore_mem>>) {add = true}
        %dma_wait3A_240 = arith.constant 0 : i32
        %dma_wait3A_241 = tpu.memref_slice %arg10[%run_scoped3A_221, %dma_wait3A_240] : memref<8x128xi32, #tpu.memory_space<vmem>> -> memref<1x128xi32, #tpu.memory_space<vmem>>
        %dma_wait3A_242 = tpu.memref_squeeze %dma_wait3A_241 : memref<1x128xi32, #tpu.memory_space<vmem>> -> memref<128xi32, #tpu.memory_space<vmem>>
        %dma_wait3A_243 = arith.constant 0 : i32
        %dma_wait3A_244 = tpu.memref_slice %arg14[%dma_wait3A_243] : memref<100352xf32, #tpu.memory_space<vmem_shared>> -> memref<100352xf32, #tpu.memory_space<vmem_shared>>
        tpu.wait_indirect_dma semaphore(%run_scoped3A_234 : memref<!tpu.dma_semaphore, #tpu.memory_space<semaphore_mem>>) src(%arg12 : memref<128xf32, #tpu.memory_space<vmem>>) dst(%dma_wait3A_244 : memref<100352xf32, #tpu.memory_space<vmem_shared>>)
        tpu.yield
      }) : () -> ()
      %run_scoped3A_222 = arith.constant 2 : i32
      "tpu.region"() ({
        %run_scoped3A_234 = tpu.sem_alloc : memref<!tpu.dma_semaphore, #tpu.memory_space<semaphore_mem>>
        %dma_start3A_235 = arith.constant 256 : i32
        %dma_start3A_236 = arith.constant 0 : i32
        %dma_start3A_237 = tpu.memref_slice %arg11[%dma_start3A_235, %dma_start3A_236] : memref<1024x16xf32, #tpu.memory_space<vmem>> -> memref<128x16xf32, #tpu.memory_space<vmem>>
        %dma_start3A_238 = arith.constant 0 : i32
        %dma_start3A_239 = tpu.memref_slice %arg10[%run_scoped3A_222, %dma_start3A_238] : memref<8x128xi32, #tpu.memory_space<vmem>> -> memref<1x128xi32, #tpu.memory_space<vmem>>
        %dma_start3A_240 = tpu.memref_squeeze %dma_start3A_239 : memref<1x128xi32, #tpu.memory_space<vmem>> -> memref<128xi32, #tpu.memory_space<vmem>>
        %dma_start3A_241 = arith.constant 0 : i32
        %dma_start3A_242 = arith.constant 0 : i32
        %dma_start3A_243 = tpu.memref_slice %arg13[%dma_start3A_241, %dma_start3A_242] : memref<100352x16xf32, #tpu.memory_space<vmem_shared>> -> memref<100352x16xf32, #tpu.memory_space<vmem_shared>>
        tpu.enqueue_indirect_dma source(%dma_start3A_237 : memref<128x16xf32, #tpu.memory_space<vmem>>) target(%dma_start3A_243 : memref<100352x16xf32, #tpu.memory_space<vmem_shared>>) offsets(%dma_start3A_240 : memref<128xi32, #tpu.memory_space<vmem>>) semaphore(%run_scoped3A_234 : memref<!tpu.dma_semaphore, #tpu.memory_space<semaphore_mem>>) {add = true}
        %dma_wait3A_244 = arith.constant 256 : i32
        %dma_wait3A_245 = arith.constant 0 : i32
        %dma_wait3A_246 = tpu.memref_slice %arg11[%dma_wait3A_244, %dma_wait3A_245] : memref<1024x16xf32, #tpu.memory_space<vmem>> -> memref<128x16xf32, #tpu.memory_space<vmem>>
        %dma_wait3A_247 = arith.constant 0 : i32
        %dma_wait3A_248 = tpu.memref_slice %arg10[%run_scoped3A_222, %dma_wait3A_247] : memref<8x128xi32, #tpu.memory_space<vmem>> -> memref<1x128xi32, #tpu.memory_space<vmem>>
        %dma_wait3A_249 = tpu.memref_squeeze %dma_wait3A_248 : memref<1x128xi32, #tpu.memory_space<vmem>> -> memref<128xi32, #tpu.memory_space<vmem>>
        %dma_wait3A_250 = arith.constant 0 : i32
        %dma_wait3A_251 = arith.constant 0 : i32
        %dma_wait3A_252 = tpu.memref_slice %arg13[%dma_wait3A_250, %dma_wait3A_251] : memref<100352x16xf32, #tpu.memory_space<vmem_shared>> -> memref<100352x16xf32, #tpu.memory_space<vmem_shared>>
        tpu.wait_indirect_dma semaphore(%run_scoped3A_234 : memref<!tpu.dma_semaphore, #tpu.memory_space<semaphore_mem>>) src(%dma_wait3A_246 : memref<128x16xf32, #tpu.memory_space<vmem>>) dst(%dma_wait3A_252 : memref<100352x16xf32, #tpu.memory_space<vmem_shared>>)
        tpu.yield
      }) : () -> ()
      %run_scoped3A_223 = arith.constant 2 : i32
      "tpu.region"() ({
        %run_scoped3A_234 = tpu.sem_alloc : memref<!tpu.dma_semaphore, #tpu.memory_space<semaphore_mem>>
        %dma_start3A_235 = arith.constant 0 : i32
        %dma_start3A_236 = tpu.memref_slice %arg10[%run_scoped3A_223, %dma_start3A_235] : memref<8x128xi32, #tpu.memory_space<vmem>> -> memref<1x128xi32, #tpu.memory_space<vmem>>
        %dma_start3A_237 = tpu.memref_squeeze %dma_start3A_236 : memref<1x128xi32, #tpu.memory_space<vmem>> -> memref<128xi32, #tpu.memory_space<vmem>>
        %dma_start3A_238 = arith.constant 0 : i32
        %dma_start3A_239 = tpu.memref_slice %arg14[%dma_start3A_238] : memref<100352xf32, #tpu.memory_space<vmem_shared>> -> memref<100352xf32, #tpu.memory_space<vmem_shared>>
        tpu.enqueue_indirect_dma source(%arg12 : memref<128xf32, #tpu.memory_space<vmem>>) target(%dma_start3A_239 : memref<100352xf32, #tpu.memory_space<vmem_shared>>) offsets(%dma_start3A_237 : memref<128xi32, #tpu.memory_space<vmem>>) semaphore(%run_scoped3A_234 : memref<!tpu.dma_semaphore, #tpu.memory_space<semaphore_mem>>) {add = true}
        %dma_wait3A_240 = arith.constant 0 : i32
        %dma_wait3A_241 = tpu.memref_slice %arg10[%run_scoped3A_223, %dma_wait3A_240] : memref<8x128xi32, #tpu.memory_space<vmem>> -> memref<1x128xi32, #tpu.memory_space<vmem>>
        %dma_wait3A_242 = tpu.memref_squeeze %dma_wait3A_241 : memref<1x128xi32, #tpu.memory_space<vmem>> -> memref<128xi32, #tpu.memory_space<vmem>>
        %dma_wait3A_243 = arith.constant 0 : i32
        %dma_wait3A_244 = tpu.memref_slice %arg14[%dma_wait3A_243] : memref<100352xf32, #tpu.memory_space<vmem_shared>> -> memref<100352xf32, #tpu.memory_space<vmem_shared>>
        tpu.wait_indirect_dma semaphore(%run_scoped3A_234 : memref<!tpu.dma_semaphore, #tpu.memory_space<semaphore_mem>>) src(%arg12 : memref<128xf32, #tpu.memory_space<vmem>>) dst(%dma_wait3A_244 : memref<100352xf32, #tpu.memory_space<vmem_shared>>)
        tpu.yield
      }) : () -> ()
      %run_scoped3A_224 = arith.constant 3 : i32
      "tpu.region"() ({
        %run_scoped3A_234 = tpu.sem_alloc : memref<!tpu.dma_semaphore, #tpu.memory_space<semaphore_mem>>
        %dma_start3A_235 = arith.constant 384 : i32
        %dma_start3A_236 = arith.constant 0 : i32
        %dma_start3A_237 = tpu.memref_slice %arg11[%dma_start3A_235, %dma_start3A_236] : memref<1024x16xf32, #tpu.memory_space<vmem>> -> memref<128x16xf32, #tpu.memory_space<vmem>>
        %dma_start3A_238 = arith.constant 0 : i32
        %dma_start3A_239 = tpu.memref_slice %arg10[%run_scoped3A_224, %dma_start3A_238] : memref<8x128xi32, #tpu.memory_space<vmem>> -> memref<1x128xi32, #tpu.memory_space<vmem>>
        %dma_start3A_240 = tpu.memref_squeeze %dma_start3A_239 : memref<1x128xi32, #tpu.memory_space<vmem>> -> memref<128xi32, #tpu.memory_space<vmem>>
        %dma_start3A_241 = arith.constant 0 : i32
        %dma_start3A_242 = arith.constant 0 : i32
        %dma_start3A_243 = tpu.memref_slice %arg13[%dma_start3A_241, %dma_start3A_242] : memref<100352x16xf32, #tpu.memory_space<vmem_shared>> -> memref<100352x16xf32, #tpu.memory_space<vmem_shared>>
        tpu.enqueue_indirect_dma source(%dma_start3A_237 : memref<128x16xf32, #tpu.memory_space<vmem>>) target(%dma_start3A_243 : memref<100352x16xf32, #tpu.memory_space<vmem_shared>>) offsets(%dma_start3A_240 : memref<128xi32, #tpu.memory_space<vmem>>) semaphore(%run_scoped3A_234 : memref<!tpu.dma_semaphore, #tpu.memory_space<semaphore_mem>>) {add = true}
        %dma_wait3A_244 = arith.constant 384 : i32
        %dma_wait3A_245 = arith.constant 0 : i32
        %dma_wait3A_246 = tpu.memref_slice %arg11[%dma_wait3A_244, %dma_wait3A_245] : memref<1024x16xf32, #tpu.memory_space<vmem>> -> memref<128x16xf32, #tpu.memory_space<vmem>>
        %dma_wait3A_247 = arith.constant 0 : i32
        %dma_wait3A_248 = tpu.memref_slice %arg10[%run_scoped3A_224, %dma_wait3A_247] : memref<8x128xi32, #tpu.memory_space<vmem>> -> memref<1x128xi32, #tpu.memory_space<vmem>>
        %dma_wait3A_249 = tpu.memref_squeeze %dma_wait3A_248 : memref<1x128xi32, #tpu.memory_space<vmem>> -> memref<128xi32, #tpu.memory_space<vmem>>
        %dma_wait3A_250 = arith.constant 0 : i32
        %dma_wait3A_251 = arith.constant 0 : i32
        %dma_wait3A_252 = tpu.memref_slice %arg13[%dma_wait3A_250, %dma_wait3A_251] : memref<100352x16xf32, #tpu.memory_space<vmem_shared>> -> memref<100352x16xf32, #tpu.memory_space<vmem_shared>>
        tpu.wait_indirect_dma semaphore(%run_scoped3A_234 : memref<!tpu.dma_semaphore, #tpu.memory_space<semaphore_mem>>) src(%dma_wait3A_246 : memref<128x16xf32, #tpu.memory_space<vmem>>) dst(%dma_wait3A_252 : memref<100352x16xf32, #tpu.memory_space<vmem_shared>>)
        tpu.yield
      }) : () -> ()
      %run_scoped3A_225 = arith.constant 3 : i32
      "tpu.region"() ({
        %run_scoped3A_234 = tpu.sem_alloc : memref<!tpu.dma_semaphore, #tpu.memory_space<semaphore_mem>>
        %dma_start3A_235 = arith.constant 0 : i32
        %dma_start3A_236 = tpu.memref_slice %arg10[%run_scoped3A_225, %dma_start3A_235] : memref<8x128xi32, #tpu.memory_space<vmem>> -> memref<1x128xi32, #tpu.memory_space<vmem>>
        %dma_start3A_237 = tpu.memref_squeeze %dma_start3A_236 : memref<1x128xi32, #tpu.memory_space<vmem>> -> memref<128xi32, #tpu.memory_space<vmem>>
        %dma_start3A_238 = arith.constant 0 : i32
        %dma_start3A_239 = tpu.memref_slice %arg14[%dma_start3A_238] : memref<100352xf32, #tpu.memory_space<vmem_shared>> -> memref<100352xf32, #tpu.memory_space<vmem_shared>>
        tpu.enqueue_indirect_dma source(%arg12 : memref<128xf32, #tpu.memory_space<vmem>>) target(%dma_start3A_239 : memref<100352xf32, #tpu.memory_space<vmem_shared>>) offsets(%dma_start3A_237 : memref<128xi32, #tpu.memory_space<vmem>>) semaphore(%run_scoped3A_234 : memref<!tpu.dma_semaphore, #tpu.memory_space<semaphore_mem>>) {add = true}
        %dma_wait3A_240 = arith.constant 0 : i32
        %dma_wait3A_241 = tpu.memref_slice %arg10[%run_scoped3A_225, %dma_wait3A_240] : memref<8x128xi32, #tpu.memory_space<vmem>> -> memref<1x128xi32, #tpu.memory_space<vmem>>
        %dma_wait3A_242 = tpu.memref_squeeze %dma_wait3A_241 : memref<1x128xi32, #tpu.memory_space<vmem>> -> memref<128xi32, #tpu.memory_space<vmem>>
        %dma_wait3A_243 = arith.constant 0 : i32
        %dma_wait3A_244 = tpu.memref_slice %arg14[%dma_wait3A_243] : memref<100352xf32, #tpu.memory_space<vmem_shared>> -> memref<100352xf32, #tpu.memory_space<vmem_shared>>
        tpu.wait_indirect_dma semaphore(%run_scoped3A_234 : memref<!tpu.dma_semaphore, #tpu.memory_space<semaphore_mem>>) src(%arg12 : memref<128xf32, #tpu.memory_space<vmem>>) dst(%dma_wait3A_244 : memref<100352xf32, #tpu.memory_space<vmem_shared>>)
        tpu.yield
      }) : () -> ()
      %run_scoped3A_226 = arith.constant 4 : i32
      "tpu.region"() ({
        %run_scoped3A_234 = tpu.sem_alloc : memref<!tpu.dma_semaphore, #tpu.memory_space<semaphore_mem>>
        %dma_start3A_235 = arith.constant 512 : i32
        %dma_start3A_236 = arith.constant 0 : i32
        %dma_start3A_237 = tpu.memref_slice %arg11[%dma_start3A_235, %dma_start3A_236] : memref<1024x16xf32, #tpu.memory_space<vmem>> -> memref<128x16xf32, #tpu.memory_space<vmem>>
        %dma_start3A_238 = arith.constant 0 : i32
        %dma_start3A_239 = tpu.memref_slice %arg10[%run_scoped3A_226, %dma_start3A_238] : memref<8x128xi32, #tpu.memory_space<vmem>> -> memref<1x128xi32, #tpu.memory_space<vmem>>
        %dma_start3A_240 = tpu.memref_squeeze %dma_start3A_239 : memref<1x128xi32, #tpu.memory_space<vmem>> -> memref<128xi32, #tpu.memory_space<vmem>>
        %dma_start3A_241 = arith.constant 0 : i32
        %dma_start3A_242 = arith.constant 0 : i32
        %dma_start3A_243 = tpu.memref_slice %arg13[%dma_start3A_241, %dma_start3A_242] : memref<100352x16xf32, #tpu.memory_space<vmem_shared>> -> memref<100352x16xf32, #tpu.memory_space<vmem_shared>>
        tpu.enqueue_indirect_dma source(%dma_start3A_237 : memref<128x16xf32, #tpu.memory_space<vmem>>) target(%dma_start3A_243 : memref<100352x16xf32, #tpu.memory_space<vmem_shared>>) offsets(%dma_start3A_240 : memref<128xi32, #tpu.memory_space<vmem>>) semaphore(%run_scoped3A_234 : memref<!tpu.dma_semaphore, #tpu.memory_space<semaphore_mem>>) {add = true}
        %dma_wait3A_244 = arith.constant 512 : i32
        %dma_wait3A_245 = arith.constant 0 : i32
        %dma_wait3A_246 = tpu.memref_slice %arg11[%dma_wait3A_244, %dma_wait3A_245] : memref<1024x16xf32, #tpu.memory_space<vmem>> -> memref<128x16xf32, #tpu.memory_space<vmem>>
        %dma_wait3A_247 = arith.constant 0 : i32
        %dma_wait3A_248 = tpu.memref_slice %arg10[%run_scoped3A_226, %dma_wait3A_247] : memref<8x128xi32, #tpu.memory_space<vmem>> -> memref<1x128xi32, #tpu.memory_space<vmem>>
        %dma_wait3A_249 = tpu.memref_squeeze %dma_wait3A_248 : memref<1x128xi32, #tpu.memory_space<vmem>> -> memref<128xi32, #tpu.memory_space<vmem>>
        %dma_wait3A_250 = arith.constant 0 : i32
        %dma_wait3A_251 = arith.constant 0 : i32
        %dma_wait3A_252 = tpu.memref_slice %arg13[%dma_wait3A_250, %dma_wait3A_251] : memref<100352x16xf32, #tpu.memory_space<vmem_shared>> -> memref<100352x16xf32, #tpu.memory_space<vmem_shared>>
        tpu.wait_indirect_dma semaphore(%run_scoped3A_234 : memref<!tpu.dma_semaphore, #tpu.memory_space<semaphore_mem>>) src(%dma_wait3A_246 : memref<128x16xf32, #tpu.memory_space<vmem>>) dst(%dma_wait3A_252 : memref<100352x16xf32, #tpu.memory_space<vmem_shared>>)
        tpu.yield
      }) : () -> ()
      %run_scoped3A_227 = arith.constant 4 : i32
      "tpu.region"() ({
        %run_scoped3A_234 = tpu.sem_alloc : memref<!tpu.dma_semaphore, #tpu.memory_space<semaphore_mem>>
        %dma_start3A_235 = arith.constant 0 : i32
        %dma_start3A_236 = tpu.memref_slice %arg10[%run_scoped3A_227, %dma_start3A_235] : memref<8x128xi32, #tpu.memory_space<vmem>> -> memref<1x128xi32, #tpu.memory_space<vmem>>
        %dma_start3A_237 = tpu.memref_squeeze %dma_start3A_236 : memref<1x128xi32, #tpu.memory_space<vmem>> -> memref<128xi32, #tpu.memory_space<vmem>>
        %dma_start3A_238 = arith.constant 0 : i32
        %dma_start3A_239 = tpu.memref_slice %arg14[%dma_start3A_238] : memref<100352xf32, #tpu.memory_space<vmem_shared>> -> memref<100352xf32, #tpu.memory_space<vmem_shared>>
        tpu.enqueue_indirect_dma source(%arg12 : memref<128xf32, #tpu.memory_space<vmem>>) target(%dma_start3A_239 : memref<100352xf32, #tpu.memory_space<vmem_shared>>) offsets(%dma_start3A_237 : memref<128xi32, #tpu.memory_space<vmem>>) semaphore(%run_scoped3A_234 : memref<!tpu.dma_semaphore, #tpu.memory_space<semaphore_mem>>) {add = true}
        %dma_wait3A_240 = arith.constant 0 : i32
        %dma_wait3A_241 = tpu.memref_slice %arg10[%run_scoped3A_227, %dma_wait3A_240] : memref<8x128xi32, #tpu.memory_space<vmem>> -> memref<1x128xi32, #tpu.memory_space<vmem>>
        %dma_wait3A_242 = tpu.memref_squeeze %dma_wait3A_241 : memref<1x128xi32, #tpu.memory_space<vmem>> -> memref<128xi32, #tpu.memory_space<vmem>>
        %dma_wait3A_243 = arith.constant 0 : i32
        %dma_wait3A_244 = tpu.memref_slice %arg14[%dma_wait3A_243] : memref<100352xf32, #tpu.memory_space<vmem_shared>> -> memref<100352xf32, #tpu.memory_space<vmem_shared>>
        tpu.wait_indirect_dma semaphore(%run_scoped3A_234 : memref<!tpu.dma_semaphore, #tpu.memory_space<semaphore_mem>>) src(%arg12 : memref<128xf32, #tpu.memory_space<vmem>>) dst(%dma_wait3A_244 : memref<100352xf32, #tpu.memory_space<vmem_shared>>)
        tpu.yield
      }) : () -> ()
      %run_scoped3A_228 = arith.constant 5 : i32
      "tpu.region"() ({
        %run_scoped3A_234 = tpu.sem_alloc : memref<!tpu.dma_semaphore, #tpu.memory_space<semaphore_mem>>
        %dma_start3A_235 = arith.constant 640 : i32
        %dma_start3A_236 = arith.constant 0 : i32
        %dma_start3A_237 = tpu.memref_slice %arg11[%dma_start3A_235, %dma_start3A_236] : memref<1024x16xf32, #tpu.memory_space<vmem>> -> memref<128x16xf32, #tpu.memory_space<vmem>>
        %dma_start3A_238 = arith.constant 0 : i32
        %dma_start3A_239 = tpu.memref_slice %arg10[%run_scoped3A_228, %dma_start3A_238] : memref<8x128xi32, #tpu.memory_space<vmem>> -> memref<1x128xi32, #tpu.memory_space<vmem>>
        %dma_start3A_240 = tpu.memref_squeeze %dma_start3A_239 : memref<1x128xi32, #tpu.memory_space<vmem>> -> memref<128xi32, #tpu.memory_space<vmem>>
        %dma_start3A_241 = arith.constant 0 : i32
        %dma_start3A_242 = arith.constant 0 : i32
        %dma_start3A_243 = tpu.memref_slice %arg13[%dma_start3A_241, %dma_start3A_242] : memref<100352x16xf32, #tpu.memory_space<vmem_shared>> -> memref<100352x16xf32, #tpu.memory_space<vmem_shared>>
        tpu.enqueue_indirect_dma source(%dma_start3A_237 : memref<128x16xf32, #tpu.memory_space<vmem>>) target(%dma_start3A_243 : memref<100352x16xf32, #tpu.memory_space<vmem_shared>>) offsets(%dma_start3A_240 : memref<128xi32, #tpu.memory_space<vmem>>) semaphore(%run_scoped3A_234 : memref<!tpu.dma_semaphore, #tpu.memory_space<semaphore_mem>>) {add = true}
        %dma_wait3A_244 = arith.constant 640 : i32
        %dma_wait3A_245 = arith.constant 0 : i32
        %dma_wait3A_246 = tpu.memref_slice %arg11[%dma_wait3A_244, %dma_wait3A_245] : memref<1024x16xf32, #tpu.memory_space<vmem>> -> memref<128x16xf32, #tpu.memory_space<vmem>>
        %dma_wait3A_247 = arith.constant 0 : i32
        %dma_wait3A_248 = tpu.memref_slice %arg10[%run_scoped3A_228, %dma_wait3A_247] : memref<8x128xi32, #tpu.memory_space<vmem>> -> memref<1x128xi32, #tpu.memory_space<vmem>>
        %dma_wait3A_249 = tpu.memref_squeeze %dma_wait3A_248 : memref<1x128xi32, #tpu.memory_space<vmem>> -> memref<128xi32, #tpu.memory_space<vmem>>
        %dma_wait3A_250 = arith.constant 0 : i32
        %dma_wait3A_251 = arith.constant 0 : i32
        %dma_wait3A_252 = tpu.memref_slice %arg13[%dma_wait3A_250, %dma_wait3A_251] : memref<100352x16xf32, #tpu.memory_space<vmem_shared>> -> memref<100352x16xf32, #tpu.memory_space<vmem_shared>>
        tpu.wait_indirect_dma semaphore(%run_scoped3A_234 : memref<!tpu.dma_semaphore, #tpu.memory_space<semaphore_mem>>) src(%dma_wait3A_246 : memref<128x16xf32, #tpu.memory_space<vmem>>) dst(%dma_wait3A_252 : memref<100352x16xf32, #tpu.memory_space<vmem_shared>>)
        tpu.yield
      }) : () -> ()
      %run_scoped3A_229 = arith.constant 5 : i32
      "tpu.region"() ({
        %run_scoped3A_234 = tpu.sem_alloc : memref<!tpu.dma_semaphore, #tpu.memory_space<semaphore_mem>>
        %dma_start3A_235 = arith.constant 0 : i32
        %dma_start3A_236 = tpu.memref_slice %arg10[%run_scoped3A_229, %dma_start3A_235] : memref<8x128xi32, #tpu.memory_space<vmem>> -> memref<1x128xi32, #tpu.memory_space<vmem>>
        %dma_start3A_237 = tpu.memref_squeeze %dma_start3A_236 : memref<1x128xi32, #tpu.memory_space<vmem>> -> memref<128xi32, #tpu.memory_space<vmem>>
        %dma_start3A_238 = arith.constant 0 : i32
        %dma_start3A_239 = tpu.memref_slice %arg14[%dma_start3A_238] : memref<100352xf32, #tpu.memory_space<vmem_shared>> -> memref<100352xf32, #tpu.memory_space<vmem_shared>>
        tpu.enqueue_indirect_dma source(%arg12 : memref<128xf32, #tpu.memory_space<vmem>>) target(%dma_start3A_239 : memref<100352xf32, #tpu.memory_space<vmem_shared>>) offsets(%dma_start3A_237 : memref<128xi32, #tpu.memory_space<vmem>>) semaphore(%run_scoped3A_234 : memref<!tpu.dma_semaphore, #tpu.memory_space<semaphore_mem>>) {add = true}
        %dma_wait3A_240 = arith.constant 0 : i32
        %dma_wait3A_241 = tpu.memref_slice %arg10[%run_scoped3A_229, %dma_wait3A_240] : memref<8x128xi32, #tpu.memory_space<vmem>> -> memref<1x128xi32, #tpu.memory_space<vmem>>
        %dma_wait3A_242 = tpu.memref_squeeze %dma_wait3A_241 : memref<1x128xi32, #tpu.memory_space<vmem>> -> memref<128xi32, #tpu.memory_space<vmem>>
        %dma_wait3A_243 = arith.constant 0 : i32
        %dma_wait3A_244 = tpu.memref_slice %arg14[%dma_wait3A_243] : memref<100352xf32, #tpu.memory_space<vmem_shared>> -> memref<100352xf32, #tpu.memory_space<vmem_shared>>
        tpu.wait_indirect_dma semaphore(%run_scoped3A_234 : memref<!tpu.dma_semaphore, #tpu.memory_space<semaphore_mem>>) src(%arg12 : memref<128xf32, #tpu.memory_space<vmem>>) dst(%dma_wait3A_244 : memref<100352xf32, #tpu.memory_space<vmem_shared>>)
        tpu.yield
      }) : () -> ()
      %run_scoped3A_230 = arith.constant 6 : i32
      "tpu.region"() ({
        %run_scoped3A_234 = tpu.sem_alloc : memref<!tpu.dma_semaphore, #tpu.memory_space<semaphore_mem>>
        %dma_start3A_235 = arith.constant 768 : i32
        %dma_start3A_236 = arith.constant 0 : i32
        %dma_start3A_237 = tpu.memref_slice %arg11[%dma_start3A_235, %dma_start3A_236] : memref<1024x16xf32, #tpu.memory_space<vmem>> -> memref<128x16xf32, #tpu.memory_space<vmem>>
        %dma_start3A_238 = arith.constant 0 : i32
        %dma_start3A_239 = tpu.memref_slice %arg10[%run_scoped3A_230, %dma_start3A_238] : memref<8x128xi32, #tpu.memory_space<vmem>> -> memref<1x128xi32, #tpu.memory_space<vmem>>
        %dma_start3A_240 = tpu.memref_squeeze %dma_start3A_239 : memref<1x128xi32, #tpu.memory_space<vmem>> -> memref<128xi32, #tpu.memory_space<vmem>>
        %dma_start3A_241 = arith.constant 0 : i32
        %dma_start3A_242 = arith.constant 0 : i32
        %dma_start3A_243 = tpu.memref_slice %arg13[%dma_start3A_241, %dma_start3A_242] : memref<100352x16xf32, #tpu.memory_space<vmem_shared>> -> memref<100352x16xf32, #tpu.memory_space<vmem_shared>>
        tpu.enqueue_indirect_dma source(%dma_start3A_237 : memref<128x16xf32, #tpu.memory_space<vmem>>) target(%dma_start3A_243 : memref<100352x16xf32, #tpu.memory_space<vmem_shared>>) offsets(%dma_start3A_240 : memref<128xi32, #tpu.memory_space<vmem>>) semaphore(%run_scoped3A_234 : memref<!tpu.dma_semaphore, #tpu.memory_space<semaphore_mem>>) {add = true}
        %dma_wait3A_244 = arith.constant 768 : i32
        %dma_wait3A_245 = arith.constant 0 : i32
        %dma_wait3A_246 = tpu.memref_slice %arg11[%dma_wait3A_244, %dma_wait3A_245] : memref<1024x16xf32, #tpu.memory_space<vmem>> -> memref<128x16xf32, #tpu.memory_space<vmem>>
        %dma_wait3A_247 = arith.constant 0 : i32
        %dma_wait3A_248 = tpu.memref_slice %arg10[%run_scoped3A_230, %dma_wait3A_247] : memref<8x128xi32, #tpu.memory_space<vmem>> -> memref<1x128xi32, #tpu.memory_space<vmem>>
        %dma_wait3A_249 = tpu.memref_squeeze %dma_wait3A_248 : memref<1x128xi32, #tpu.memory_space<vmem>> -> memref<128xi32, #tpu.memory_space<vmem>>
        %dma_wait3A_250 = arith.constant 0 : i32
        %dma_wait3A_251 = arith.constant 0 : i32
        %dma_wait3A_252 = tpu.memref_slice %arg13[%dma_wait3A_250, %dma_wait3A_251] : memref<100352x16xf32, #tpu.memory_space<vmem_shared>> -> memref<100352x16xf32, #tpu.memory_space<vmem_shared>>
        tpu.wait_indirect_dma semaphore(%run_scoped3A_234 : memref<!tpu.dma_semaphore, #tpu.memory_space<semaphore_mem>>) src(%dma_wait3A_246 : memref<128x16xf32, #tpu.memory_space<vmem>>) dst(%dma_wait3A_252 : memref<100352x16xf32, #tpu.memory_space<vmem_shared>>)
        tpu.yield
      }) : () -> ()
      %run_scoped3A_231 = arith.constant 6 : i32
      "tpu.region"() ({
        %run_scoped3A_234 = tpu.sem_alloc : memref<!tpu.dma_semaphore, #tpu.memory_space<semaphore_mem>>
        %dma_start3A_235 = arith.constant 0 : i32
        %dma_start3A_236 = tpu.memref_slice %arg10[%run_scoped3A_231, %dma_start3A_235] : memref<8x128xi32, #tpu.memory_space<vmem>> -> memref<1x128xi32, #tpu.memory_space<vmem>>
        %dma_start3A_237 = tpu.memref_squeeze %dma_start3A_236 : memref<1x128xi32, #tpu.memory_space<vmem>> -> memref<128xi32, #tpu.memory_space<vmem>>
        %dma_start3A_238 = arith.constant 0 : i32
        %dma_start3A_239 = tpu.memref_slice %arg14[%dma_start3A_238] : memref<100352xf32, #tpu.memory_space<vmem_shared>> -> memref<100352xf32, #tpu.memory_space<vmem_shared>>
        tpu.enqueue_indirect_dma source(%arg12 : memref<128xf32, #tpu.memory_space<vmem>>) target(%dma_start3A_239 : memref<100352xf32, #tpu.memory_space<vmem_shared>>) offsets(%dma_start3A_237 : memref<128xi32, #tpu.memory_space<vmem>>) semaphore(%run_scoped3A_234 : memref<!tpu.dma_semaphore, #tpu.memory_space<semaphore_mem>>) {add = true}
        %dma_wait3A_240 = arith.constant 0 : i32
        %dma_wait3A_241 = tpu.memref_slice %arg10[%run_scoped3A_231, %dma_wait3A_240] : memref<8x128xi32, #tpu.memory_space<vmem>> -> memref<1x128xi32, #tpu.memory_space<vmem>>
        %dma_wait3A_242 = tpu.memref_squeeze %dma_wait3A_241 : memref<1x128xi32, #tpu.memory_space<vmem>> -> memref<128xi32, #tpu.memory_space<vmem>>
        %dma_wait3A_243 = arith.constant 0 : i32
        %dma_wait3A_244 = tpu.memref_slice %arg14[%dma_wait3A_243] : memref<100352xf32, #tpu.memory_space<vmem_shared>> -> memref<100352xf32, #tpu.memory_space<vmem_shared>>
        tpu.wait_indirect_dma semaphore(%run_scoped3A_234 : memref<!tpu.dma_semaphore, #tpu.memory_space<semaphore_mem>>) src(%arg12 : memref<128xf32, #tpu.memory_space<vmem>>) dst(%dma_wait3A_244 : memref<100352xf32, #tpu.memory_space<vmem_shared>>)
        tpu.yield
      }) : () -> ()
      %run_scoped3A_232 = arith.constant 7 : i32
      "tpu.region"() ({
        %run_scoped3A_234 = tpu.sem_alloc : memref<!tpu.dma_semaphore, #tpu.memory_space<semaphore_mem>>
        %dma_start3A_235 = arith.constant 896 : i32
        %dma_start3A_236 = arith.constant 0 : i32
        %dma_start3A_237 = tpu.memref_slice %arg11[%dma_start3A_235, %dma_start3A_236] : memref<1024x16xf32, #tpu.memory_space<vmem>> -> memref<128x16xf32, #tpu.memory_space<vmem>>
        %dma_start3A_238 = arith.constant 0 : i32
        %dma_start3A_239 = tpu.memref_slice %arg10[%run_scoped3A_232, %dma_start3A_238] : memref<8x128xi32, #tpu.memory_space<vmem>> -> memref<1x128xi32, #tpu.memory_space<vmem>>
        %dma_start3A_240 = tpu.memref_squeeze %dma_start3A_239 : memref<1x128xi32, #tpu.memory_space<vmem>> -> memref<128xi32, #tpu.memory_space<vmem>>
        %dma_start3A_241 = arith.constant 0 : i32
        %dma_start3A_242 = arith.constant 0 : i32
        %dma_start3A_243 = tpu.memref_slice %arg13[%dma_start3A_241, %dma_start3A_242] : memref<100352x16xf32, #tpu.memory_space<vmem_shared>> -> memref<100352x16xf32, #tpu.memory_space<vmem_shared>>
        tpu.enqueue_indirect_dma source(%dma_start3A_237 : memref<128x16xf32, #tpu.memory_space<vmem>>) target(%dma_start3A_243 : memref<100352x16xf32, #tpu.memory_space<vmem_shared>>) offsets(%dma_start3A_240 : memref<128xi32, #tpu.memory_space<vmem>>) semaphore(%run_scoped3A_234 : memref<!tpu.dma_semaphore, #tpu.memory_space<semaphore_mem>>) {add = true}
        %dma_wait3A_244 = arith.constant 896 : i32
        %dma_wait3A_245 = arith.constant 0 : i32
        %dma_wait3A_246 = tpu.memref_slice %arg11[%dma_wait3A_244, %dma_wait3A_245] : memref<1024x16xf32, #tpu.memory_space<vmem>> -> memref<128x16xf32, #tpu.memory_space<vmem>>
        %dma_wait3A_247 = arith.constant 0 : i32
        %dma_wait3A_248 = tpu.memref_slice %arg10[%run_scoped3A_232, %dma_wait3A_247] : memref<8x128xi32, #tpu.memory_space<vmem>> -> memref<1x128xi32, #tpu.memory_space<vmem>>
        %dma_wait3A_249 = tpu.memref_squeeze %dma_wait3A_248 : memref<1x128xi32, #tpu.memory_space<vmem>> -> memref<128xi32, #tpu.memory_space<vmem>>
        %dma_wait3A_250 = arith.constant 0 : i32
        %dma_wait3A_251 = arith.constant 0 : i32
        %dma_wait3A_252 = tpu.memref_slice %arg13[%dma_wait3A_250, %dma_wait3A_251] : memref<100352x16xf32, #tpu.memory_space<vmem_shared>> -> memref<100352x16xf32, #tpu.memory_space<vmem_shared>>
        tpu.wait_indirect_dma semaphore(%run_scoped3A_234 : memref<!tpu.dma_semaphore, #tpu.memory_space<semaphore_mem>>) src(%dma_wait3A_246 : memref<128x16xf32, #tpu.memory_space<vmem>>) dst(%dma_wait3A_252 : memref<100352x16xf32, #tpu.memory_space<vmem_shared>>)
        tpu.yield
      }) : () -> ()
      %run_scoped3A_233 = arith.constant 7 : i32
      "tpu.region"() ({
        %run_scoped3A_234 = tpu.sem_alloc : memref<!tpu.dma_semaphore, #tpu.memory_space<semaphore_mem>>
        %dma_start3A_235 = arith.constant 0 : i32
        %dma_start3A_236 = tpu.memref_slice %arg10[%run_scoped3A_233, %dma_start3A_235] : memref<8x128xi32, #tpu.memory_space<vmem>> -> memref<1x128xi32, #tpu.memory_space<vmem>>
        %dma_start3A_237 = tpu.memref_squeeze %dma_start3A_236 : memref<1x128xi32, #tpu.memory_space<vmem>> -> memref<128xi32, #tpu.memory_space<vmem>>
        %dma_start3A_238 = arith.constant 0 : i32
        %dma_start3A_239 = tpu.memref_slice %arg14[%dma_start3A_238] : memref<100352xf32, #tpu.memory_space<vmem_shared>> -> memref<100352xf32, #tpu.memory_space<vmem_shared>>
        tpu.enqueue_indirect_dma source(%arg12 : memref<128xf32, #tpu.memory_space<vmem>>) target(%dma_start3A_239 : memref<100352xf32, #tpu.memory_space<vmem_shared>>) offsets(%dma_start3A_237 : memref<128xi32, #tpu.memory_space<vmem>>) semaphore(%run_scoped3A_234 : memref<!tpu.dma_semaphore, #tpu.memory_space<semaphore_mem>>) {add = true}
        %dma_wait3A_240 = arith.constant 0 : i32
        %dma_wait3A_241 = tpu.memref_slice %arg10[%run_scoped3A_233, %dma_wait3A_240] : memref<8x128xi32, #tpu.memory_space<vmem>> -> memref<1x128xi32, #tpu.memory_space<vmem>>
        %dma_wait3A_242 = tpu.memref_squeeze %dma_wait3A_241 : memref<1x128xi32, #tpu.memory_space<vmem>> -> memref<128xi32, #tpu.memory_space<vmem>>
        %dma_wait3A_243 = arith.constant 0 : i32
        %dma_wait3A_244 = tpu.memref_slice %arg14[%dma_wait3A_243] : memref<100352xf32, #tpu.memory_space<vmem_shared>> -> memref<100352xf32, #tpu.memory_space<vmem_shared>>
        tpu.wait_indirect_dma semaphore(%run_scoped3A_234 : memref<!tpu.dma_semaphore, #tpu.memory_space<semaphore_mem>>) src(%arg12 : memref<128xf32, #tpu.memory_space<vmem>>) dst(%dma_wait3A_244 : memref<100352xf32, #tpu.memory_space<vmem_shared>>)
        tpu.yield
      }) : () -> ()
    }
    %scan3A_53 = arith.constant 100 : i32
    %barrier3A_54 = arith.constant 0 : index
    tpu.barrier barrier_id(%barrier3A_54)
    "tpu.region"() ({
      %run_scoped3A = tpu.sem_alloc : memref<!tpu.dma_semaphore, #tpu.memory_space<semaphore_mem>>
      %dma_start3A = arith.constant 0 : i32
      %dma_start3A_55 = arith.constant 0 : i32
      %dma_start3A_56 = tpu.memref_slice %arg7[%arg0, %dma_start3A, %dma_start3A_55] : memref<2x100352x16xf32, #tpu.memory_space<hbm>> -> memref<1x100352x16xf32, #tpu.memory_space<hbm>>
      %dma_start3A_57 = tpu.memref_squeeze %dma_start3A_56 : memref<1x100352x16xf32, #tpu.memory_space<hbm>> -> memref<100352x16xf32, #tpu.memory_space<hbm>>
      %dma_start3A_58 = arith.constant 0 : i32
      %dma_start3A_59 = tpu.memref_slice %dma_start3A_57[%mul3A_48, %dma_start3A_58] : memref<100352x16xf32, #tpu.memory_space<hbm>> -> memref<6272x16xf32, #tpu.memory_space<hbm>>
      %dma_start3A_60 = arith.constant 0 : i32
      %dma_start3A_61 = tpu.memref_slice %arg13[%mul3A_48, %dma_start3A_60] : memref<100352x16xf32, #tpu.memory_space<vmem_shared>> -> memref<6272x16xf32, #tpu.memory_space<vmem_shared>>
      tpu.enqueue_dma source(%dma_start3A_61 : memref<6272x16xf32, #tpu.memory_space<vmem_shared>>) target(%dma_start3A_59 : memref<6272x16xf32, #tpu.memory_space<hbm>>) target_semaphore(%run_scoped3A : memref<!tpu.dma_semaphore, #tpu.memory_space<semaphore_mem>>)
      %dma_wait3A = arith.constant 0 : i32
      %dma_wait3A_62 = arith.constant 0 : i32
      %dma_wait3A_63 = tpu.memref_slice %arg7[%arg0, %dma_wait3A, %dma_wait3A_62] : memref<2x100352x16xf32, #tpu.memory_space<hbm>> -> memref<1x100352x16xf32, #tpu.memory_space<hbm>>
      %dma_wait3A_64 = tpu.memref_squeeze %dma_wait3A_63 : memref<1x100352x16xf32, #tpu.memory_space<hbm>> -> memref<100352x16xf32, #tpu.memory_space<hbm>>
      %dma_wait3A_65 = arith.constant 0 : i32
      %dma_wait3A_66 = tpu.memref_slice %dma_wait3A_64[%mul3A_48, %dma_wait3A_65] : memref<100352x16xf32, #tpu.memory_space<hbm>> -> memref<6272x16xf32, #tpu.memory_space<hbm>>
      %dma_wait3A_67 = arith.constant 0 : i32
      %dma_wait3A_68 = tpu.memref_slice %arg13[%mul3A_48, %dma_wait3A_67] : memref<100352x16xf32, #tpu.memory_space<vmem_shared>> -> memref<6272x16xf32, #tpu.memory_space<vmem_shared>>
      tpu.wait_dma2 semaphore(%run_scoped3A : memref<!tpu.dma_semaphore, #tpu.memory_space<semaphore_mem>>) src(%dma_wait3A_68 : memref<6272x16xf32, #tpu.memory_space<vmem_shared>>) dst(%dma_wait3A_66 : memref<6272x16xf32, #tpu.memory_space<hbm>>)
      tpu.yield
    }) : () -> ()
    "tpu.region"() ({
      %run_scoped3A = tpu.sem_alloc : memref<!tpu.dma_semaphore, #tpu.memory_space<semaphore_mem>>
      %dma_start3A = arith.constant 0 : i32
      %dma_start3A_55 = tpu.memref_slice %arg8[%arg0, %dma_start3A] : memref<2x100352xf32, #tpu.memory_space<hbm>> -> memref<1x100352xf32, #tpu.memory_space<hbm>>
      %dma_start3A_56 = tpu.memref_squeeze %dma_start3A_55 : memref<1x100352xf32, #tpu.memory_space<hbm>> -> memref<100352xf32, #tpu.memory_space<hbm>>
      %dma_start3A_57 = tpu.memref_slice %dma_start3A_56[%mul3A_48] : memref<100352xf32, #tpu.memory_space<hbm>> -> memref<6272xf32, #tpu.memory_space<hbm>>
      %dma_start3A_58 = tpu.memref_slice %arg14[%mul3A_48] : memref<100352xf32, #tpu.memory_space<vmem_shared>> -> memref<6272xf32, #tpu.memory_space<vmem_shared>>
      tpu.enqueue_dma source(%dma_start3A_58 : memref<6272xf32, #tpu.memory_space<vmem_shared>>) target(%dma_start3A_57 : memref<6272xf32, #tpu.memory_space<hbm>>) target_semaphore(%run_scoped3A : memref<!tpu.dma_semaphore, #tpu.memory_space<semaphore_mem>>)
      %dma_wait3A = arith.constant 0 : i32
      %dma_wait3A_59 = tpu.memref_slice %arg8[%arg0, %dma_wait3A] : memref<2x100352xf32, #tpu.memory_space<hbm>> -> memref<1x100352xf32, #tpu.memory_space<hbm>>
      %dma_wait3A_60 = tpu.memref_squeeze %dma_wait3A_59 : memref<1x100352xf32, #tpu.memory_space<hbm>> -> memref<100352xf32, #tpu.memory_space<hbm>>
      %dma_wait3A_61 = tpu.memref_slice %dma_wait3A_60[%mul3A_48] : memref<100352xf32, #tpu.memory_space<hbm>> -> memref<6272xf32, #tpu.memory_space<hbm>>
      %dma_wait3A_62 = tpu.memref_slice %arg14[%mul3A_48] : memref<100352xf32, #tpu.memory_space<vmem_shared>> -> memref<6272xf32, #tpu.memory_space<vmem_shared>>
      tpu.wait_dma2 semaphore(%run_scoped3A : memref<!tpu.dma_semaphore, #tpu.memory_space<semaphore_mem>>) src(%dma_wait3A_62 : memref<6272xf32, #tpu.memory_space<vmem_shared>>) dst(%dma_wait3A_61 : memref<6272xf32, #tpu.memory_space<hbm>>)
      tpu.yield
    }) : () -> ()
    return
  }
}

module attributes {stable_mosaic.version = 14 : i64} {
  func.func @body(%arg0: i32, %arg1: memref<4000x16xf32, #tpu.memory_space<vmem>>, %arg2: memref<4000x16xf32, #tpu.memory_space<vmem>>, %arg3: memref<4000x1xf32, #tpu.memory_space<vmem>>, %arg4: memref<4000x1xf32, #tpu.memory_space<vmem>>, %arg5: memref<4000x16xf32, #tpu.memory_space<vmem>>, %arg6: memref<32x16xf32, #tpu.memory_space<vmem>>, %arg7: memref<32xf32, #tpu.memory_space<vmem>>, %arg8: memref<32x16xf32, #tpu.memory_space<vmem>>, %arg9: memref<4000x32xf32, #tpu.memory_space<vmem>>) attributes {dimension_semantics = [#tpu.dimension_semantics<arbitrary>], iteration_bounds = array<i64: 25>, scalar_prefetch = 0 : i64, scratch_operands = 0 : i64, tpu.core_type = #tpu.core_type<tc>, window_params = [{transform_indices = @transform_0, window_bounds = array<i64: 4000, 16>}, {transform_indices = @transform_1, window_bounds = array<i64: 4000, 16>}, {transform_indices = @transform_2, window_bounds = array<i64: 4000, 1>}, {transform_indices = @transform_3, window_bounds = array<i64: 4000, 1>}, {transform_indices = @transform_4, window_bounds = array<i64: 4000, 16>}, {pipeline_mode = #tpu.pipeline_mode<synchronous>, transform_indices = @transform_5, window_bounds = array<i64: 32, 16>}, {pipeline_mode = #tpu.pipeline_mode<synchronous>, transform_indices = @transform_6, window_bounds = array<i64: 32>}, {pipeline_mode = #tpu.pipeline_mode<synchronous>, transform_indices = @transform_7, window_bounds = array<i64: 32, 16>}, {transform_indices = @transform_8, window_bounds = array<i64: 4000, 32>}]} {
    %get3A = arith.constant 0 : index
    %get3A_0 = arith.constant 0 : index
    %get3A_1 = vector.load %arg1[%get3A, %get3A_0] : memref<4000x16xf32, #tpu.memory_space<vmem>>, vector<4000x16xf32>
    %get3A_2 = arith.constant 0 : index
    %get3A_3 = arith.constant 0 : index
    %get3A_4 = vector.load %arg2[%get3A_2, %get3A_3] : memref<4000x16xf32, #tpu.memory_space<vmem>>, vector<4000x16xf32>
    %add3A = arith.addf %get3A_1, %get3A_4 : vector<4000x16xf32>
    %get3A_5 = arith.constant 0 : index
    %get3A_6 = arith.constant 0 : index
    %get3A_7 = vector.load %arg3[%get3A_5, %get3A_6] : memref<4000x1xf32, #tpu.memory_space<vmem>>, vector<4000x1xf32>
    %get3A_8 = arith.constant 0 : index
    %get3A_9 = arith.constant 0 : index
    %get3A_10 = vector.load %arg4[%get3A_8, %get3A_9] : memref<4000x1xf32, #tpu.memory_space<vmem>>, vector<4000x1xf32>
    %add3A_11 = arith.addf %get3A_7, %get3A_10 : vector<4000x1xf32>
    %jit3A = arith.constant 1.000000e+00 : f32
    %max3A = vector.broadcast %jit3A : f32 to vector<4000x1xf32>
    %max3A_12 = arith.maximumf %max3A, %add3A_11 : vector<4000x1xf32>
    %div3A = vector.broadcast %max3A_12 : vector<4000x1xf32> to vector<4000x16xf32>
    %div3A_13 = arith.divf %add3A, %div3A : vector<4000x16xf32>
    %get3A_14 = arith.constant 0 : index
    %get3A_15 = arith.constant 0 : index
    %get3A_16 = vector.load %arg6[%get3A_14, %get3A_15] : memref<32x16xf32, #tpu.memory_space<vmem>>, vector<32x16xf32>
    %transpose3A = tpu.transpose %get3A_16, [1, 0] : vector<32x16xf32> -> vector<16x32xf32>
    %dot_general3A = arith.constant dense<0.000000e+00> : vector<4000x32xf32>
    %dot_general3A_17 = tpu.matmul %div3A_13, %transpose3A, %dot_general3A {dimension_numbers = #tpu.dot_dimension_numbers<[1], [0], [0], [1], [0, 0, 1, 1], [], []>, transpose_lhs_hint = false} : vector<4000x16xf32>, vector<16x32xf32>, vector<4000x32xf32> -> vector<4000x32xf32>
    %get3A_18 = arith.constant 0 : index
    %get3A_19 = arith.constant 0 : index
    %get3A_20 = vector.load %arg5[%get3A_18, %get3A_19] : memref<4000x16xf32, #tpu.memory_space<vmem>>, vector<4000x16xf32>
    %get3A_21 = arith.constant 0 : index
    %get3A_22 = arith.constant 0 : index
    %get3A_23 = vector.load %arg8[%get3A_21, %get3A_22] : memref<32x16xf32, #tpu.memory_space<vmem>>, vector<32x16xf32>
    %transpose3A_24 = tpu.transpose %get3A_23, [1, 0] : vector<32x16xf32> -> vector<16x32xf32>
    %dot_general3A_25 = arith.constant dense<0.000000e+00> : vector<4000x32xf32>
    %dot_general3A_26 = tpu.matmul %get3A_20, %transpose3A_24, %dot_general3A_25 {dimension_numbers = #tpu.dot_dimension_numbers<[1], [0], [0], [1], [0, 0, 1, 1], [], []>, transpose_lhs_hint = false} : vector<4000x16xf32>, vector<16x32xf32>, vector<4000x32xf32> -> vector<4000x32xf32>
    %add3A_27 = arith.addf %dot_general3A_17, %dot_general3A_26 : vector<4000x32xf32>
    %get3A_28 = arith.constant 0 : index
    %get3A_29 = vector.load %arg7[%get3A_28] : memref<32xf32, #tpu.memory_space<vmem>>, vector<32xf32>
    %broadcast_in_dim3A = vector.shape_cast %get3A_29 : vector<32xf32> to vector<1x32xf32>
    %add3A_30 = vector.broadcast %broadcast_in_dim3A : vector<1x32xf32> to vector<4000x32xf32>
    %add3A_31 = arith.addf %add3A_27, %add3A_30 : vector<4000x32xf32>
    %swap3A = arith.constant 0 : index
    %swap3A_32 = arith.constant 0 : index
    %swap3A_33 = vector.load %arg9[%swap3A, %swap3A_32] : memref<4000x32xf32, #tpu.memory_space<vmem>>, vector<4000x32xf32>
    tpu.vector_store %arg9[%swap3A, %swap3A_32], %add3A_31 {strides = array<i32>} : memref<4000x32xf32, #tpu.memory_space<vmem>>, vector<4000x32xf32>,
    return
  }
  func.func @transform_0(%arg0: i32) -> (i32, i32) {
    %c0_i32 = arith.constant 0 : i32
    %c0_i32_0 = arith.constant 0 : i32
    return %arg0, %c0_i32 : i32, i32
  }
  func.func @transform_1(%arg0: i32) -> (i32, i32) {
    %c0_i32 = arith.constant 0 : i32
    %c0_i32_0 = arith.constant 0 : i32
    return %arg0, %c0_i32 : i32, i32
  }
  func.func @transform_2(%arg0: i32) -> (i32, i32) {
    %c0_i32 = arith.constant 0 : i32
    %c0_i32_0 = arith.constant 0 : i32
    return %arg0, %c0_i32 : i32, i32
  }
  func.func @transform_3(%arg0: i32) -> (i32, i32) {
    %c0_i32 = arith.constant 0 : i32
    %c0_i32_0 = arith.constant 0 : i32
    return %arg0, %c0_i32 : i32, i32
  }
  func.func @transform_4(%arg0: i32) -> (i32, i32) {
    %c0_i32 = arith.constant 0 : i32
    %c0_i32_0 = arith.constant 0 : i32
    return %arg0, %c0_i32 : i32, i32
  }
  func.func @transform_5(%arg0: i32) -> (i32, i32) {
    %c0_i32 = arith.constant 0 : i32
    %c0_i32_0 = arith.constant 0 : i32
    %c0_i32_1 = arith.constant 0 : i32
    return %c0_i32, %c0_i32_0 : i32, i32
  }
  func.func @transform_6(%arg0: i32) -> i32 {
    %c0_i32 = arith.constant 0 : i32
    %c0_i32_0 = arith.constant 0 : i32
    return %c0_i32 : i32
  }
  func.func @transform_7(%arg0: i32) -> (i32, i32) {
    %c0_i32 = arith.constant 0 : i32
    %c0_i32_0 = arith.constant 0 : i32
    %c0_i32_1 = arith.constant 0 : i32
    return %c0_i32, %c0_i32_0 : i32, i32
  }
  func.func @transform_8(%arg0: i32) -> (i32, i32) {
    %c0_i32 = arith.constant 0 : i32
    %c0_i32_0 = arith.constant 0 : i32
    return %arg0, %c0_i32 : i32, i32
  }
}

</mosaic_0001>

<sc_bundles>
// kernel: kernel.4.cloned.1.call-start
scs
__scs_entry_jumppad:
0x0: {  	(pc) =	sbr.rel $0x88, $3  }
0x1: {  	(tag) =	ssettag $0x0;
	lr =	simm.s32 $0x1  }
0x2: {  	[smem:$0x3F9C] =	sst lr;
	_ =	strace $0xD0000000  }
0x3: {  	_ = 	snop  }
0x4: {  	_ = 	snop  }
0x5: {  	_ = 	snop  }
0x6: {  	_ = 	snop  }
0x7: {  	_ = 	snop  }
__scs_overlays_trampoline_lowered:
0x8: {  	[smem:$0x3FAB] =	sst s0  }
0x9: {  	[smem:$0x3FAC] =	sst s1  }
0xa: {  	[smem:$0x3FAD] =	sst s2  }
0xb: {  	[smem:$0x3FAE] =	sst s3  }
0xc: {  	[smem:$0x3FAF] =	sst s4  }
0xd: {  	[smem:$0x3FB0] =	sst s5  }
0xe: {  	[smem:$0x3FB1] =	sst s6  }
0xf: {  	[smem:$0x3FB2] =	sst s7  }
0x10: {  	[smem:$0x3FB3] =	sst s8  }
0x11: {  	[smem:$0x3FB4] =	sst s9;
	s0 =	simm.s32 @!p0 $0x0  }
0x12: {  	s1 =	sld [smem:$0x3F9A];
	s0 =	simm.s32 @p0 $0x1  }
0x13: {  	[smem:$0x3FB5] =	sst s0;
	s0 =	simm.s32 @!p1 $0x0  }
0x14: {  	s2 =	sld [smem:$0x3F99];
	s0 =	simm.s32 @p1 $0x1  }
0x15: {  	[smem:$0x3FB6] =	sst s0;
	s0 =	simm.s32 @!p2 $0x0  }
0x16: {  	s3 =	sld [smem:$0x3FDB];
	s0 =	simm.s32 @p2 $0x1  }
0x17: {  	s4 =	simm.s32 $0x1BF5;
	[smem:$0x3FB8] =	sst s0  }
0x18: {  	s0 =	sld [smem:$0x3F9B];
	_ =	swait.ge [sflag:s4], $0x0  }
0x19: {  	s7 =	sld [smem:$0x3F9C]  }
0x1a: {  	s8 =	sadd.s32 $0xFFFFE003, lr  }
0x1b: {  	s9 =	sadd.s32 $0xFFFFFEF7, lr;
	s5 =	simm.s32 $0xFFFFFFFF;
	p2 =	slt.u32 s8, $0xFFFFF086  }
0x1c: {  	p1 =	slt.u32 s9, $0xF7A;
	s5 =	simm.s32 @!p2 $0x0  }
0x1d: {  	s5 =	simm.s32 @p1 $0x1;
	p0 =	seq.s32 s7, s2  }
0x1e: {  	s7 =	smul.u32 @!p0 $0xF7A, s2;
	p2 =	seq.s32 @!p0 s5, $0x0  }
0x1f: {  	s9 =	smul.u32 $0xF7A, s1;
	s8 =	simm.s32 @!p0 $0x1BF5;
	p2 =	por !p2, p0  }
0x20: {  	[sflag:s8] =	ssyncset.s32 @!p0 $0xFFFFF086;
	s6 =	sadd.s32 @!p0 s3, s7;
	s7 =	simm.s32 @!p0 $0x108  }
0x21: {  	s3 =	sadd.s32 s3, s9;
	s6 =	sadd.s32 @!p0 $0x88, s6;
	s7 =	simm.s32 @p2 $0x1082  }
0x22: {  	[simem:s7], [sflag:s8] =	dma.local @!p0 [hbm:s6], $0xF7A  }
0x23: {  	s9 =	sor.u32 $0xD0000000, s2;
	s6 =	simm.s32 $0x108;
	_ =	swait.ge @!p0 [sflag:s8], $0x0  }
0x24: {  	s3 =	sadd.s32 $0x88, s3;
	s6 =	simm.s32 @!p1 $0x1082;
	[sflag:s4] =	ssyncset.s32 $0xFFFFF086  }
0x25: {  	[simem:s6], [sflag:s4] =	dma.local [hbm:s3], $0xF7A  }
0x26: {  	[smem:$0x3F9C] =	sst s1;
	(tag) =	ssettag s2;
	_ =	strace s9  }
0x27: {  	s1 =	sld [smem:$0x3FAC]  }
0x28: {  	s2 =	sld [smem:$0x3FAD]  }
0x29: {  	s4 =	sld [smem:$0x3FAF]  }
0x2a: {  	p0 =	seq.s32 s5, $0x0;
	s5 =	sld [smem:$0x3FB0]  }
0x2b: {  	s6 =	sld [smem:$0x3FB1]  }
0x2c: {  	s7 =	sld [smem:$0x3FB2]  }
0x2d: {  	s3 =	simm.s32 $0x108;
	s8 =	sld [smem:$0x3FB3]  }
0x2e: {  	s3 =	simm.s32 @!p0 $0x1082;
	s9 =	sld [smem:$0x3FB4]  }
0x2f: {  	lr =	sadd.s32 s0, s3;
	s0 =	sld [smem:$0x3FAB]  }
0x30: {  	s3 =	sld [smem:$0x3FAE]  }
0x31: {  	[smem:$0x3FB7] =	sst s10  }
0x32: {  	s10 =	sld [smem:$0x3FB5];
	_ =	sdelay $0x3  }
0x33: {  	p0 =	seq.s32 s10, $0x1;
	s10 =	sld [smem:$0x3FB7];
	_ =	sdelay $0x3  }
0x34: {  	[smem:$0x3FB7] =	sst s10  }
0x35: {  	s10 =	sld [smem:$0x3FB6];
	_ =	sdelay $0x3  }
0x36: {  	p1 =	seq.s32 s10, $0x1;
	s10 =	sld [smem:$0x3FB7];
	_ =	sdelay $0x3  }
0x37: {  	[smem:$0x3FB7] =	sst s10  }
0x38: {  	s10 =	sld [smem:$0x3FB8]  }
0x39: {  	_ = 	snop;
	(pc) =	sbr.ind lr, $3  }
0x3a: {  	_ = 	snop  }
0x3b: {  	_ = 	snop  }
0x3c: {  	p2 =	seq.s32 s10, $0x1;
	s10 =	sld [smem:$0x3FB7]  }
0x3d: {  	_ =	shalt  }
0x3e: {  	_ =	shalt  }
0x3f: {  	_ =	shalt  }
0x40: {  	_ =	shalt  }
0x41: {  	_ =	shalt  }
0x42: {  	_ =	shalt  }
0x43: {  	_ =	shalt  }
0x44: {  	_ =	shalt  }
0x45: {  	_ =	shalt  }
0x46: {  	_ =	shalt  }
0x47: {  	_ =	shalt  }
0x48: {  	_ =	shalt  }
0x49: {  	_ =	shalt  }
0x4a: {  	_ =	shalt  }
0x4b: {  	_ =	shalt  }
0x4c: {  	_ =	shalt  }
0x4d: {  	_ =	shalt  }
0x4e: {  	_ =	shalt  }
0x4f: {  	_ =	shalt  }
0x50: {  	_ =	shalt  }
0x51: {  	_ =	shalt  }
0x52: {  	_ =	shalt  }
0x53: {  	_ =	shalt  }
0x54: {  	_ =	shalt  }
0x55: {  	_ =	shalt  }
0x56: {  	_ =	shalt  }
0x57: {  	_ =	shalt  }
0x58: {  	_ =	shalt  }
0x59: {  	_ =	shalt  }
0x5a: {  	_ =	shalt  }
0x5b: {  	_ =	shalt  }
0x5c: {  	_ =	shalt  }
0x5d: {  	_ =	shalt  }
0x5e: {  	_ =	shalt  }
0x5f: {  	_ =	shalt  }
0x60: {  	_ =	shalt  }
0x61: {  	_ =	shalt  }
0x62: {  	_ =	shalt  }
0x63: {  	_ =	shalt  }
0x64: {  	_ =	shalt  }
0x65: {  	_ =	shalt  }
0x66: {  	_ =	shalt  }
0x67: {  	_ =	shalt  }
0x68: {  	_ =	shalt  }
0x69: {  	_ =	shalt  }
0x6a: {  	_ =	shalt  }
0x6b: {  	_ =	shalt  }
0x6c: {  	_ =	shalt  }
0x6d: {  	_ =	shalt  }
0x6e: {  	_ =	shalt  }
0x6f: {  	_ =	shalt  }
0x70: {  	_ =	shalt  }
0x71: {  	_ =	shalt  }
0x72: {  	_ =	shalt  }
0x73: {  	_ =	shalt  }
0x74: {  	_ =	shalt  }
0x75: {  	_ =	shalt  }
0x76: {  	_ =	shalt  }
0x77: {  	_ =	shalt  }
0x78: {  	_ =	shalt  }
0x79: {  	_ =	shalt  }
0x7a: {  	_ =	shalt  }
0x7b: {  	_ =	shalt  }
0x7c: {  	_ =	shalt  }
0x7d: {  	_ =	shalt  }
0x7e: {  	_ =	shalt  }
0x7f: {  	_ =	shalt  }
0x80: {  	_ =	shalt  }
0x81: {  	_ =	shalt  }
0x82: {  	_ =	shalt  }
0x83: {  	_ =	shalt  }
0x84: {  	_ =	shalt  }
0x85: {  	_ =	shalt  }
0x86: {  	_ =	shalt  }
0x87: {  	_ =	shalt  }
.Lfunc_end0:
.L_simem_size_0:
called_computation_lowered:
.L_overlay_start_0:
0x88: {  	s2 =	sld [smem:$0x3FD9]  }
0x89: {  	s3 =	sld [smem:$0x3FFE];
	_ =	sdelay $0x1  }
0x8a: {  	s1 =	srdreg.scid  }
0x8b: {  	s0 =	sand.u32 $0x1, s1  }
0x8c: {  	s17 =	sshll.u32 s0, $0xA;
	s2 =	sadd.s32 s3, s2  }
0x8d: {  	s2 =	sadd.s32 s2, s17  }
0x8e: {  	[smem:$0x3FC3] =	sst s2  }
0x8f: {  	_ = 	snop  }
0x90: {  	s2 =	sld [smem:$0x3FD0];
	(tm) =	ssettm $0x1  }
0x91: {  	s18 =	sld [smem:$0x3FFB];
	_ =	sdelay $0x3  }
0x92: {  	_ =	strace s18  }
0x93: {  	s3 =	sld [smem:$0x3FFC];
	_ =	sdelay $0x3  }
0x94: {  	_ =	strace s3  }
0x95: {  	s3 =	sld [smem:$0x3FFD];
	_ =	sdelay $0x3  }
0x96: {  	_ =	strace s3  }
0x97: {  	_ =	strace $0x8FFFFFFF  }
0x98: {  	s19 =	sld [smem:$0x3FDB];
	_ =	sdelay $0x1  }
0x99: {  	s4 =	simm.s32 $_scs_section_size  }
0x9a: {  	s5 =	simm.s32 $_size__tile_overlayer_lowered;
	s6 =	simm.s32 $_tile_overlayer_lowered  }
0x9b: {  	s22 =	simm.s32 $0x1BFF;
	s21 =	sshll.u32 s6, $0x1;
	s3 =	sadd.s32 s4, s19  }
0x9c: {  	s7 =	simm.s32 $0x0;
	s20 =	sshll.u32 s5, $0x1;
	s5 =	sadd.s32 s21, s3  }
0x9d: {  	[timem:s7], [sflag:s22] =	dma.local [hbm:s5], s20  }
0x9e: {  	_ =	swait.ge [sflag:s22], s20  }
0x9f: {  	s4 =	ssub.s32 $0x0, s20;
	[sflag:s22] =	ssyncset.done $0x0  }
0xa0: {  	[sflag:s22] =	ssyncadd.s32 s4;
	_ =	sdelay $0x1  }
0xa1: {  	s23 =	simm.s32 $0x1B8B  }
0xa2: {  	_ =	swait.ge [sflag:s23], $0x1  }
0xa3: {  	[sflag:s23] =	ssyncset.done $0x0  }
0xa4: {  	s25 =	simm.s32 $0x1B8E;
	s24 =	sld [smem:$0x3FFE];
	[sflag:s23] =	ssyncadd.s32 $0xFFFFFFFF  }
0xa5: {  	s26 =	simm.s32 $execute0_lowered;
	[smem:$0x3FD2] =	sst s25  }
0xa6: {  	s5 =	sshll.u32 s26, $0x1;
	_ =	strace $0x80000046;
	[dreg:$0x1] =	wrdreg $0xFFFFFFFF  }
0xa7: {  	s28 =	simm.s32 $_size_execute0_lowered;
	s3 =	sadd.s32 s3, s5;
	[dreg:$0x0] =	wrdreg $0x0  }
0xa8: {  	s5 =	sshll.u32 s28, $0x1;
	[dreg:$0x2] =	wrdreg s3  }
0xa9: {  	[dreg:$0x3] =	wrdreg s5  }
0xaa: {  	[dreg:$0x4] =	wrdreg $0xC0  }
0xab: {  	_ =	task [dreg:s7], $0x5FFFF  }
0xac: {  	[dreg:$0x1] =	wrdreg $0xFFFFFFFF  }
0xad: {  	[dreg:$0x0] =	wrdreg $0x60  }
0xae: {  	[dreg:$0x2] =	wrdreg s2  }
0xaf: {  	[dreg:$0x3] =	wrdreg s24  }
0xb0: {  	[dreg:$0x4] =	wrdreg $0x48800  }
0xb1: {  	[dreg:$0x5] =	wrdreg $0x1D0800  }
0xb2: {  	[dreg:$0x6] =	wrdreg $0x9  }
0xb3: {  	_ =	task.clear_ibuf [dreg:s7], $0x7FFFF;
	_ =	strace $0x90000046  }
0xb4: {  	s29 =	simm.s32 $0x9;
	_ =	strace $0x80000048  }
0xb5: {  	_ =	swait.ge [sflag:s29], $0x1  }
0xb6: {  	[sflag:s29] =	ssyncadd.s32 $0xFFFFFFFF  }
0xb7: {  	_ =	strace $0x90000048  }
0xb8: {  	_ =	sfence  }
0xb9: {  	s30 =	sld [smem:$0x0];
	_ =	sdelay $0x2  }
0xba: {  	s31 =	sshll.u32 s1, $0xD;
	s1 =	sshrl.u32 s1, $0x2  }
0xbb: {  	s3 =	sand.u32 $0x4000, s31;
	s1 =	sadd.s32 s1, s30  }
0xbc: {  	s0 =	sor.u32 s3, s0;
	s1 =	sshll.u32 s1, $0x11  }
0xbd: {  	s0 =	sor.u32 s1, s0  }
0xbe: {  	s0 =	sadd.s32 $0x8F2B, s0  }
0xbf: {  	[sflag:s0] =	ssyncadd.remote.s32 $0x1  }
0xc0: {  	_ =	sfence.sel $0xFFFF  }
0xc1: {  	[dreg:$0x0] =	wrdreg $0xFFFFFFFF;
	(pc) =	sbr.abs _section_cstart, $3  }
0xc2: {  	[dreg:$0x1] =	wrdreg $0xFFFFFFFF  }
0xc3: {  	_ =	task.clear_ibuf [dreg:s7], $0x2FFFF;
	_ =	strace $0x9FFFFFFF  }
0xc4: {  	(tm) =	ssettm $0x7FFFFFFF  }
0xc5: {  	_ =	shalt  }
tec
execute0_lowered:
.L_overlay_start_1:
0x0: {  	(tag) =	ssettag $0x1  }
0x1: {  	s1 =	rddreg [dreg:$0x0]  }
0x2: {  	s2 =	rddreg [dreg:$0x1]  }
0x3: {  	s0 =	srdreg.scid;
	s3 =	rddreg [dreg:$0x2]  }
0x4: {  	s12 =	stileid.u32;
	s4 =	rddreg [dreg:$0x3]  }
0x5: {  	s5 =	simm.s32 $0x0;
	s21 =	simm.s32 $0x100;
	s22 =	simm.s32 $0x180  }
0x6: {  	s23 =	simm.s32 $0x200;
	s28 =	simm.s32 $0x4000;
	s29 =	simm.s32 $0x1  }
0x7: {  	s30 =	simm.s32 $0x4800;
	s31 =	simm.s32 $0x480;
	s6 =	smul.u32 $0x32000, s12  }
0x8: {  	s0 =	sand.u32 $0x1, s0;
	[smem:$0x7FF] =	sst s5;
	s9 =	smul.u32 $0x18800, s12  }
0x9: {  	s8 =	sadd.s32 $0x250000, s2;
	s15 =	sadd.s32 $0x253200, s2;
	s10 =	smul.u32 $0x1880, s12  }
0xa: {  	s7 =	smul.u32 $0x19000, s0;
	_ =	strace $0x80000047;
	[dreg:$0xa] =	wrdreg s8  }
0xb: {  	s18 =	sshll.u32 s12, $0x6;
	s14 =	smul.u32 $0x31000, s0;
	[dreg:$0xb] =	wrdreg s15  }
0xc: {  	s16 =	smul.u32 $0x3100, s0;
	s0 =	ssub.s32 $0x2, s0;
	[dreg:$0x7] =	wrdreg s21  }
0xd: {  	s8 =	sor.u32 $0x1C02, s18;
	s15 =	simm.s32 $0x800;
	[dreg:$0x8] =	wrdreg s22  }
0xe: {  	s18 =	simm.s32 $0x2000;
	[dreg:$0x9] =	wrdreg s23;
	s21 =	simm.s32 $0x3000  }
0xf: {  	s23 =	simm.s32 $0x300;
	s22 =	simm.s32 $0x780;
	s17 =	sshrl.u32 s0, $0x1  }
0x10: {  	s11 =	sadd.s32 s9, s3;
	s19 =	sadd.s32 s10, s4;
	s9 =	sshrl.u32 s9, $0x3  }
0x11: {  	s10 =	sshrl.u32 s10, $0x3;
	s6 =	sadd.s32 s7, s6;
	s7 =	sadd.s32 s14, s2  }
0x12: {  	s0 =	ssub.s32 s0, s17;
	s20 =	sshrl.u32 s11, $0x3;
	s11 =	simm.s32 $0x2  }
0x13: {  	s24 =	sshrl.u32 s19, $0x3;
	s14 =	simm.s32 $0x80;
	s17 =	simm.s32 $0x1800  }
0x14: {  	s19 =	simm.s32 $0x2800;
	s6 =	sshrl.u32 s6, $0x3;
	s7 =	sadd.s32 $0x253600, s7  }
0x15: {  	s0 =	smax.u32 s0, $0x1;
	s12 =	smov.u32 s20;
	s20 =	simm.s32 $0x280  }
0x16: {  	[dreg:$0xf] =	wrdreg s24;
	s6 =	sadd.s32 s6, s2;
	s2 =	sadd.s32 s16, s2  }
0x17: {  	[dreg:$0xd] =	wrdreg s0;
	s16 =	simm.s32 $0x1000;
	s25 =	sadd.s32 s9, s7  }
0x18: {  	s0 =	simm.s32 $0x580;
	s7 =	simm.s32 $0x680;
	[dreg:$0xe] =	wrdreg s12  }
0x19: {  	s9 =	simm.s32 $0x700;
	s13 =	sadd.s32 $0x188000, s6;
	[dreg:$0x10] =	wrdreg s25  }
0x1a: {  	s2 =	sadd.s32 $0x2B5600, s2;
	s6 =	sadd.s32 $0x1EC000, s6;
	[dreg:$0x5] =	wrdreg s13  }
0x1b: {  	s25 =	simm.s32 $0x3800;
	[dreg:$0x6] =	wrdreg s6;
	s26 =	sadd.s32 s10, s2  }
0x1c: {  	s10 =	smov.u32 s8;
	s8 =	simm.s32 $0x0;
	[dreg:$0x11] =	wrdreg s26  }
0x1d: {  	s13 =	simm.s32 $0x400;
	s2 =	simm.s32 $0x500;
	[dreg:$0x12] =	wrdreg s8  }
0x1e: {  	v0 =	vimm.f32 $1.000000000e+00;
	s6 =	simm.s32 $0x600;
	s26 =	simm.s32 $0x380;
	[dreg:$0xc] =	wrdreg s10  }
.LBB2_1:
0x1f: {  	[tilespmem:$0x4800] =	vst v0  }
0x20: {  	[tilespmem:$0x4810] =	vst v0  }
0x21: {  	[tilespmem:$0x4820] =	vst v0  }
0x22: {  	[tilespmem:$0x4830] =	vst v0  }
0x23: {  	[tilespmem:$0x4840] =	vst v0  }
0x24: {  	[tilespmem:$0x4850] =	vst v0  }
0x25: {  	[tilespmem:$0x4860] =	vst v0  }
0x26: {  	[tilespmem:$0x4870] =	vst v0;
	s8 =	rddreg [dreg:$0xa]  }
0x27: {  	[spmem:s12], [sflag:s10] =	dma.local [hbm:s8], $0x3100  }
0x28: {  	_ =	swait.ge [sflag:s11], $0x3100  }
0x29: {  	[sflag:s11] =	ssyncset.done $0x0  }
0x2a: {  	s12 =	rddreg [dreg:$0xb];
	[sflag:s11] =	ssyncadd.s32 $0xFFFFCF00  }
0x2b: {  	[spmem:s24], [sflag:s10] =	dma.local [hbm:s12], $0x310  }
0x2c: {  	_ =	swait.ge [sflag:s11], $0x310  }
0x2d: {  	[sflag:s11] =	ssyncset.done $0x0  }
0x2e: {  	[sflag:s11] =	ssyncadd.s32 $0xFFFFFCF0  }
0x2f: {  	[bflag:$0x0] =	sbarrier.arrive $0xFFFF  }
0x30: {  	s8 =	rddreg [dreg:$0x6]  }
0x31: {  	s10 =	sadd.s32 $0x0, s8  }
0x32: {  	[tilespmem:s5], [sflag:$0x2] =	stream.linear.gather [hbm4b:s10+s5], $0x400, $0x38;
	[tilespmem:$0x1E900] =	vst v63  }
0x33: {  	_ =	swait.ge [sflag:s11], $0x400  }
0x34: {  	s12 =	rddreg [dreg:$0x5];
	[sflag:s11] =	ssyncset.done $0x0  }
0x35: {  	[sflag:s11] =	ssyncadd.s32 $0xFFFFFC00;
	s10 =	sadd.s32 $0x0, s12  }
0x36: {  	[tilespmem:s13], [sflag:$0x2] =	stream.linear.gather [hbm4b:s10+s5], $0x400, $0x38;
	[tilespmem:$0x1E900] =	vst v63  }
0x37: {  	_ =	swait.ge [sflag:s11], $0x400  }
0x38: {  	[sflag:s11] =	ssyncset.done $0x0  }
0x39: {  	[sflag:s11] =	ssyncadd.s32 $0xFFFFFC00  }
0x3a: {  	[tilespmem:s15], [sflag:$0x1] =	stream.indirect.gather [hbm4b:s1+s14], $0x10, s5, s14, $0xb8;
	[tilespmem:$0x1E900] =	vst v63  }
0x3b: {  	_ = 	snop  }
0x3c: {  	[tilespmem:s16], [sflag:$0x1] =	stream.indirect.gather [hbm4b:s1+s14], $0x10, s14, s14, $0xb8;
	[tilespmem:$0x1E900] =	vst v63  }
0x3d: {  	s24 =	rddreg [dreg:$0x7]  }
0x3e: {  	[tilespmem:s17], [sflag:$0x1] =	stream.indirect.gather [hbm4b:s1+s14], $0x10, s24, s14, $0xb8;
	[tilespmem:$0x1E900] =	vst v63  }
0x3f: {  	s8 =	rddreg [dreg:$0x8]  }
0x40: {  	[tilespmem:s18], [sflag:$0x1] =	stream.indirect.gather [hbm4b:s1+s14], $0x10, s8, s14, $0xb8;
	[tilespmem:$0x1E900] =	vst v63  }
0x41: {  	s24 =	rddreg [dreg:$0x9]  }
0x42: {  	[tilespmem:s19], [sflag:$0x1] =	stream.indirect.gather [hbm4b:s1+s14], $0x10, s24, s14, $0xb8;
	[tilespmem:$0x1E900] =	vst v63  }
0x43: {  	_ = 	snop  }
0x44: {  	[tilespmem:s21], [sflag:$0x1] =	stream.indirect.gather [hbm4b:s1+s14], $0x10, s20, s14, $0xb8;
	[tilespmem:$0x1E900] =	vst v63  }
0x45: {  	_ = 	snop  }
0x46: {  	[tilespmem:s25], [sflag:$0x1] =	stream.indirect.gather [hbm4b:s1+s14], $0x10, s23, s14, $0xb8;
	[tilespmem:$0x1E900] =	vst v63  }
0x47: {  	_ = 	snop  }
0x48: {  	[tilespmem:s28], [sflag:$0x1] =	stream.indirect.gather [hbm4b:s1+s14], $0x10, s26, s14, $0xb8;
	[tilespmem:$0x1E900] =	vst v63  }
0x49: {  	_ =	swait.ge [sflag:s29], $0x800  }
0x4a: {  	[sflag:s29] =	ssyncset.done $0x0  }
0x4b: {  	[sflag:s29] =	ssyncadd.s32 $0xFFFFF800  }
0x4c: {  	_ =	swait.ge [sflag:s29], $0x800  }
0x4d: {  	[sflag:s29] =	ssyncset.done $0x0  }
0x4e: {  	[sflag:s29] =	ssyncadd.s32 $0xFFFFF800  }
0x4f: {  	_ =	swait.ge [sflag:s29], $0x800  }
0x50: {  	[sflag:s29] =	ssyncset.done $0x0  }
0x51: {  	[sflag:s29] =	ssyncadd.s32 $0xFFFFF800  }
0x52: {  	_ =	swait.ge [sflag:s29], $0x800  }
0x53: {  	[sflag:s29] =	ssyncset.done $0x0  }
0x54: {  	[sflag:s29] =	ssyncadd.s32 $0xFFFFF800  }
0x55: {  	_ =	swait.ge [sflag:s29], $0x800  }
0x56: {  	[sflag:s29] =	ssyncset.done $0x0  }
0x57: {  	[sflag:s29] =	ssyncadd.s32 $0xFFFFF800  }
0x58: {  	_ =	swait.ge [sflag:s29], $0x800  }
0x59: {  	[sflag:s29] =	ssyncset.done $0x0  }
0x5a: {  	[sflag:s29] =	ssyncadd.s32 $0xFFFFF800  }
0x5b: {  	_ =	swait.ge [sflag:s29], $0x800  }
0x5c: {  	[sflag:s29] =	ssyncset.done $0x0  }
0x5d: {  	[sflag:s29] =	ssyncadd.s32 $0xFFFFF800  }
0x5e: {  	_ =	swait.ge [sflag:s29], $0x800  }
0x5f: {  	[sflag:s29] =	ssyncset.done $0x0  }
0x60: {  	[sflag:s29] =	ssyncadd.s32 $0xFFFFF800  }
0x61: {  	[spmem:s3] =	stream.indirect.scatter.add.f32 [tilespmem:s15], [sflag:$0x2], $0x10, s13, s14, $0xb8;
	[tilespmem:$0x1E900] =	vst v63  }
0x62: {  	_ =	swait.ge [sflag:s11], $0x800  }
0x63: {  	[sflag:s11] =	ssyncset.done $0x0  }
0x64: {  	[sflag:s11] =	ssyncadd.s32 $0xFFFFF800  }
0x65: {  	[spmem:s4] =	stream.indirect.scatter.add.f32 [tilespmem:s30], [sflag:$0x2], $0x1, s13, s14, $0xb8;
	[tilespmem:$0x1E900] =	vst v63  }
0x66: {  	_ =	swait.ge [sflag:s11], $0x80  }
0x67: {  	[sflag:s11] =	ssyncset.done $0x0  }
0x68: {  	[sflag:s11] =	ssyncadd.s32 $0xFFFFFF80  }
0x69: {  	[spmem:s3] =	stream.indirect.scatter.add.f32 [tilespmem:s16], [sflag:$0x2], $0x10, s31, s14, $0xb8;
	[tilespmem:$0x1E900] =	vst v63  }
0x6a: {  	_ =	swait.ge [sflag:s11], $0x800  }
0x6b: {  	[sflag:s11] =	ssyncset.done $0x0  }
0x6c: {  	[sflag:s11] =	ssyncadd.s32 $0xFFFFF800  }
0x6d: {  	[spmem:s4] =	stream.indirect.scatter.add.f32 [tilespmem:s30], [sflag:$0x2], $0x1, s31, s14, $0xb8;
	[tilespmem:$0x1E900] =	vst v63  }
0x6e: {  	_ =	swait.ge [sflag:s11], $0x80  }
0x6f: {  	[sflag:s11] =	ssyncset.done $0x0  }
0x70: {  	[sflag:s11] =	ssyncadd.s32 $0xFFFFFF80  }
0x71: {  	[spmem:s3] =	stream.indirect.scatter.add.f32 [tilespmem:s17], [sflag:$0x2], $0x10, s2, s14, $0xb8;
	[tilespmem:$0x1E900] =	vst v63  }
0x72: {  	_ =	swait.ge [sflag:s11], $0x800  }
0x73: {  	[sflag:s11] =	ssyncset.done $0x0  }
0x74: {  	[sflag:s11] =	ssyncadd.s32 $0xFFFFF800  }
0x75: {  	[spmem:s4] =	stream.indirect.scatter.add.f32 [tilespmem:s30], [sflag:$0x2], $0x1, s2, s14, $0xb8;
	[tilespmem:$0x1E900] =	vst v63  }
0x76: {  	_ =	swait.ge [sflag:s11], $0x80  }
0x77: {  	[sflag:s11] =	ssyncset.done $0x0  }
0x78: {  	[sflag:s11] =	ssyncadd.s32 $0xFFFFFF80  }
0x79: {  	[spmem:s3] =	stream.indirect.scatter.add.f32 [tilespmem:s18], [sflag:$0x2], $0x10, s0, s14, $0xb8;
	[tilespmem:$0x1E900] =	vst v63  }
0x7a: {  	_ =	swait.ge [sflag:s11], $0x800  }
0x7b: {  	[sflag:s11] =	ssyncset.done $0x0  }
0x7c: {  	[sflag:s11] =	ssyncadd.s32 $0xFFFFF800  }
0x7d: {  	[spmem:s4] =	stream.indirect.scatter.add.f32 [tilespmem:s30], [sflag:$0x2], $0x1, s0, s14, $0xb8;
	[tilespmem:$0x1E900] =	vst v63  }
0x7e: {  	_ =	swait.ge [sflag:s11], $0x80  }
0x7f: {  	[sflag:s11] =	ssyncset.done $0x0  }
0x80: {  	[sflag:s11] =	ssyncadd.s32 $0xFFFFFF80  }
0x81: {  	[spmem:s3] =	stream.indirect.scatter.add.f32 [tilespmem:s19], [sflag:$0x2], $0x10, s6, s14, $0xb8;
	[tilespmem:$0x1E900] =	vst v63  }
0x82: {  	_ =	swait.ge [sflag:s11], $0x800  }
0x83: {  	[sflag:s11] =	ssyncset.done $0x0  }
0x84: {  	[sflag:s11] =	ssyncadd.s32 $0xFFFFF800  }
0x85: {  	[spmem:s4] =	stream.indirect.scatter.add.f32 [tilespmem:s30], [sflag:$0x2], $0x1, s6, s14, $0xb8;
	[tilespmem:$0x1E900] =	vst v63  }
0x86: {  	_ =	swait.ge [sflag:s11], $0x80  }
0x87: {  	[sflag:s11] =	ssyncset.done $0x0  }
0x88: {  	[sflag:s11] =	ssyncadd.s32 $0xFFFFFF80  }
0x89: {  	[spmem:s3] =	stream.indirect.scatter.add.f32 [tilespmem:s21], [sflag:$0x2], $0x10, s7, s14, $0xb8;
	[tilespmem:$0x1E900] =	vst v63  }
0x8a: {  	_ =	swait.ge [sflag:s11], $0x800  }
0x8b: {  	[sflag:s11] =	ssyncset.done $0x0  }
0x8c: {  	[sflag:s11] =	ssyncadd.s32 $0xFFFFF800  }
0x8d: {  	[spmem:s4] =	stream.indirect.scatter.add.f32 [tilespmem:s30], [sflag:$0x2], $0x1, s7, s14, $0xb8;
	[tilespmem:$0x1E900] =	vst v63  }
0x8e: {  	_ =	swait.ge [sflag:s11], $0x80  }
0x8f: {  	[sflag:s11] =	ssyncset.done $0x0  }
0x90: {  	[sflag:s11] =	ssyncadd.s32 $0xFFFFFF80  }
0x91: {  	[spmem:s3] =	stream.indirect.scatter.add.f32 [tilespmem:s25], [sflag:$0x2], $0x10, s9, s14, $0xb8;
	[tilespmem:$0x1E900] =	vst v63  }
0x92: {  	_ =	swait.ge [sflag:s11], $0x800  }
0x93: {  	[sflag:s11] =	ssyncset.done $0x0  }
0x94: {  	[sflag:s11] =	ssyncadd.s32 $0xFFFFF800  }
0x95: {  	[spmem:s4] =	stream.indirect.scatter.add.f32 [tilespmem:s30], [sflag:$0x2], $0x1, s9, s14, $0xb8;
	[tilespmem:$0x1E900] =	vst v63  }
0x96: {  	_ =	swait.ge [sflag:s11], $0x80  }
0x97: {  	[sflag:s11] =	ssyncset.done $0x0  }
0x98: {  	[sflag:s11] =	ssyncadd.s32 $0xFFFFFF80  }
0x99: {  	[spmem:s3] =	stream.indirect.scatter.add.f32 [tilespmem:s28], [sflag:$0x2], $0x10, s22, s14, $0xb8;
	[tilespmem:$0x1E900] =	vst v63  }
0x9a: {  	_ =	swait.ge [sflag:s11], $0x800  }
0x9b: {  	[sflag:s11] =	ssyncset.done $0x0  }
0x9c: {  	[sflag:s11] =	ssyncadd.s32 $0xFFFFF800  }
0x9d: {  	[spmem:s4] =	stream.indirect.scatter.add.f32 [tilespmem:s30], [sflag:$0x2], $0x1, s22, s14, $0xb8;
	[tilespmem:$0x1E900] =	vst v63  }
0x9e: {  	s10 =	simm.s32 $0x80;
	_ =	swait.ge [sflag:s11], $0x80  }
.LBB2_2:
0x9f: {  	s12 =	rddreg [dreg:$0x6];
	s8 =	smov.u32 s10;
	[sflag:s11] =	ssyncset.done $0x0  }
0xa0: {  	s12 =	sadd.s32 s8, s12;
	[sflag:s11] =	ssyncadd.s32 $0xFFFFFF80  }
0xa1: {  	[tilespmem:s5], [sflag:$0x2] =	stream.linear.gather [hbm4b:s12+s5], $0x400, $0x38;
	[tilespmem:$0x1E900] =	vst v63  }
0xa2: {  	_ =	swait.ge [sflag:s11], $0x400  }
0xa3: {  	s24 =	rddreg [dreg:$0x5];
	[sflag:s11] =	ssyncset.done $0x0  }
0xa4: {  	[sflag:s11] =	ssyncadd.s32 $0xFFFFFC00;
	s8 =	sadd.s32 s8, s24  }
0xa5: {  	[tilespmem:s13], [sflag:$0x2] =	stream.linear.gather [hbm4b:s8+s5], $0x400, $0x38;
	[tilespmem:$0x1E900] =	vst v63  }
0xa6: {  	_ =	swait.ge [sflag:s11], $0x400  }
0xa7: {  	[sflag:s11] =	ssyncset.done $0x0  }
0xa8: {  	[sflag:s11] =	ssyncadd.s32 $0xFFFFFC00  }
0xa9: {  	[tilespmem:s15], [sflag:$0x1] =	stream.indirect.gather [hbm4b:s1+s14], $0x10, s5, s14, $0xb8;
	[tilespmem:$0x1E900] =	vst v63  }
0xaa: {  	_ = 	snop  }
0xab: {  	[tilespmem:s16], [sflag:$0x1] =	stream.indirect.gather [hbm4b:s1+s14], $0x10, s14, s14, $0xb8;
	[tilespmem:$0x1E900] =	vst v63  }
0xac: {  	s24 =	rddreg [dreg:$0x7]  }
0xad: {  	[tilespmem:s17], [sflag:$0x1] =	stream.indirect.gather [hbm4b:s1+s14], $0x10, s24, s14, $0xb8;
	[tilespmem:$0x1E900] =	vst v63  }
0xae: {  	s12 =	rddreg [dreg:$0x8]  }
0xaf: {  	[tilespmem:s18], [sflag:$0x1] =	stream.indirect.gather [hbm4b:s1+s14], $0x10, s12, s14, $0xb8;
	[tilespmem:$0x1E900] =	vst v63  }
0xb0: {  	s24 =	rddreg [dreg:$0x9]  }
0xb1: {  	[tilespmem:s19], [sflag:$0x1] =	stream.indirect.gather [hbm4b:s1+s14], $0x10, s24, s14, $0xb8;
	[tilespmem:$0x1E900] =	vst v63  }
0xb2: {  	_ = 	snop  }
0xb3: {  	[tilespmem:s21], [sflag:$0x1] =	stream.indirect.gather [hbm4b:s1+s14], $0x10, s20, s14, $0xb8;
	[tilespmem:$0x1E900] =	vst v63  }
0xb4: {  	_ = 	snop  }
0xb5: {  	[tilespmem:s25], [sflag:$0x1] =	stream.indirect.gather [hbm4b:s1+s14], $0x10, s23, s14, $0xb8;
	[tilespmem:$0x1E900] =	vst v63  }
0xb6: {  	_ = 	snop  }
0xb7: {  	[tilespmem:s28], [sflag:$0x1] =	stream.indirect.gather [hbm4b:s1+s14], $0x10, s26, s14, $0xb8;
	[tilespmem:$0x1E900] =	vst v63  }
0xb8: {  	_ =	swait.ge [sflag:s29], $0x800  }
0xb9: {  	[sflag:s29] =	ssyncset.done $0x0  }
0xba: {  	[sflag:s29] =	ssyncadd.s32 $0xFFFFF800  }
0xbb: {  	_ =	swait.ge [sflag:s29], $0x800  }
0xbc: {  	[sflag:s29] =	ssyncset.done $0x0  }
0xbd: {  	[sflag:s29] =	ssyncadd.s32 $0xFFFFF800  }
0xbe: {  	_ =	swait.ge [sflag:s29], $0x800  }
0xbf: {  	[sflag:s29] =	ssyncset.done $0x0  }
0xc0: {  	[sflag:s29] =	ssyncadd.s32 $0xFFFFF800  }
0xc1: {  	_ =	swait.ge [sflag:s29], $0x800  }
0xc2: {  	[sflag:s29] =	ssyncset.done $0x0  }
0xc3: {  	[sflag:s29] =	ssyncadd.s32 $0xFFFFF800  }
0xc4: {  	_ =	swait.ge [sflag:s29], $0x800  }
0xc5: {  	[sflag:s29] =	ssyncset.done $0x0  }
0xc6: {  	[sflag:s29] =	ssyncadd.s32 $0xFFFFF800  }
0xc7: {  	_ =	swait.ge [sflag:s29], $0x800  }
0xc8: {  	[sflag:s29] =	ssyncset.done $0x0  }
0xc9: {  	[sflag:s29] =	ssyncadd.s32 $0xFFFFF800  }
0xca: {  	_ =	swait.ge [sflag:s29], $0x800  }
0xcb: {  	[sflag:s29] =	ssyncset.done $0x0  }
0xcc: {  	[sflag:s29] =	ssyncadd.s32 $0xFFFFF800  }
0xcd: {  	_ =	swait.ge [sflag:s29], $0x800  }
0xce: {  	[sflag:s29] =	ssyncset.done $0x0  }
0xcf: {  	[sflag:s29] =	ssyncadd.s32 $0xFFFFF800  }
0xd0: {  	[spmem:s3] =	stream.indirect.scatter.add.f32 [tilespmem:s15], [sflag:$0x2], $0x10, s13, s14, $0xb8;
	[tilespmem:$0x1E900] =	vst v63  }
0xd1: {  	_ =	swait.ge [sflag:s11], $0x800  }
0xd2: {  	[sflag:s11] =	ssyncset.done $0x0  }
0xd3: {  	[sflag:s11] =	ssyncadd.s32 $0xFFFFF800  }
0xd4: {  	[spmem:s4] =	stream.indirect.scatter.add.f32 [tilespmem:s30], [sflag:$0x2], $0x1, s13, s14, $0xb8;
	[tilespmem:$0x1E900] =	vst v63  }
0xd5: {  	_ =	swait.ge [sflag:s11], $0x80  }
0xd6: {  	[sflag:s11] =	ssyncset.done $0x0  }
0xd7: {  	[sflag:s11] =	ssyncadd.s32 $0xFFFFFF80  }
0xd8: {  	[spmem:s3] =	stream.indirect.scatter.add.f32 [tilespmem:s16], [sflag:$0x2], $0x10, s31, s14, $0xb8;
	[tilespmem:$0x1E900] =	vst v63  }
0xd9: {  	_ =	swait.ge [sflag:s11], $0x800  }
0xda: {  	[sflag:s11] =	ssyncset.done $0x0  }
0xdb: {  	[sflag:s11] =	ssyncadd.s32 $0xFFFFF800  }
0xdc: {  	[spmem:s4] =	stream.indirect.scatter.add.f32 [tilespmem:s30], [sflag:$0x2], $0x1, s31, s14, $0xb8;
	[tilespmem:$0x1E900] =	vst v63  }
0xdd: {  	_ =	swait.ge [sflag:s11], $0x80  }
0xde: {  	[sflag:s11] =	ssyncset.done $0x0  }
0xdf: {  	[sflag:s11] =	ssyncadd.s32 $0xFFFFFF80  }
0xe0: {  	[spmem:s3] =	stream.indirect.scatter.add.f32 [tilespmem:s17], [sflag:$0x2], $0x10, s2, s14, $0xb8;
	[tilespmem:$0x1E900] =	vst v63  }
0xe1: {  	_ =	swait.ge [sflag:s11], $0x800  }
0xe2: {  	[sflag:s11] =	ssyncset.done $0x0  }
0xe3: {  	[sflag:s11] =	ssyncadd.s32 $0xFFFFF800  }
0xe4: {  	[spmem:s4] =	stream.indirect.scatter.add.f32 [tilespmem:s30], [sflag:$0x2], $0x1, s2, s14, $0xb8;
	[tilespmem:$0x1E900] =	vst v63  }
0xe5: {  	_ =	swait.ge [sflag:s11], $0x80  }
0xe6: {  	[sflag:s11] =	ssyncset.done $0x0  }
0xe7: {  	[sflag:s11] =	ssyncadd.s32 $0xFFFFFF80  }
0xe8: {  	[spmem:s3] =	stream.indirect.scatter.add.f32 [tilespmem:s18], [sflag:$0x2], $0x10, s0, s14, $0xb8;
	[tilespmem:$0x1E900] =	vst v63  }
0xe9: {  	_ =	swait.ge [sflag:s11], $0x800  }
0xea: {  	[sflag:s11] =	ssyncset.done $0x0  }
0xeb: {  	[sflag:s11] =	ssyncadd.s32 $0xFFFFF800  }
0xec: {  	[spmem:s4] =	stream.indirect.scatter.add.f32 [tilespmem:s30], [sflag:$0x2], $0x1, s0, s14, $0xb8;
	[tilespmem:$0x1E900] =	vst v63  }
0xed: {  	_ =	swait.ge [sflag:s11], $0x80  }
0xee: {  	[sflag:s11] =	ssyncset.done $0x0  }
0xef: {  	[sflag:s11] =	ssyncadd.s32 $0xFFFFFF80  }
0xf0: {  	[spmem:s3] =	stream.indirect.scatter.add.f32 [tilespmem:s19], [sflag:$0x2], $0x10, s6, s14, $0xb8;
	[tilespmem:$0x1E900] =	vst v63  }
0xf1: {  	_ =	swait.ge [sflag:s11], $0x800  }
0xf2: {  	[sflag:s11] =	ssyncset.done $0x0  }
0xf3: {  	[sflag:s11] =	ssyncadd.s32 $0xFFFFF800  }
0xf4: {  	[spmem:s4] =	stream.indirect.scatter.add.f32 [tilespmem:s30], [sflag:$0x2], $0x1, s6, s14, $0xb8;
	[tilespmem:$0x1E900] =	vst v63  }
0xf5: {  	_ =	swait.ge [sflag:s11], $0x80  }
0xf6: {  	[sflag:s11] =	ssyncset.done $0x0  }
0xf7: {  	[sflag:s11] =	ssyncadd.s32 $0xFFFFFF80  }
0xf8: {  	[spmem:s3] =	stream.indirect.scatter.add.f32 [tilespmem:s21], [sflag:$0x2], $0x10, s7, s14, $0xb8;
	[tilespmem:$0x1E900] =	vst v63  }
0xf9: {  	_ =	swait.ge [sflag:s11], $0x800  }
0xfa: {  	[sflag:s11] =	ssyncset.done $0x0  }
0xfb: {  	[sflag:s11] =	ssyncadd.s32 $0xFFFFF800  }
0xfc: {  	[spmem:s4] =	stream.indirect.scatter.add.f32 [tilespmem:s30], [sflag:$0x2], $0x1, s7, s14, $0xb8;
	[tilespmem:$0x1E900] =	vst v63  }
0xfd: {  	_ =	swait.ge [sflag:s11], $0x80  }
0xfe: {  	[sflag:s11] =	ssyncset.done $0x0  }
0xff: {  	[sflag:s11] =	ssyncadd.s32 $0xFFFFFF80  }
0x100: {  	[spmem:s3] =	stream.indirect.scatter.add.f32 [tilespmem:s25], [sflag:$0x2], $0x10, s9, s14, $0xb8;
	[tilespmem:$0x1E900] =	vst v63  }
0x101: {  	_ =	swait.ge [sflag:s11], $0x800  }
0x102: {  	[sflag:s11] =	ssyncset.done $0x0  }
0x103: {  	[sflag:s11] =	ssyncadd.s32 $0xFFFFF800  }
0x104: {  	[spmem:s4] =	stream.indirect.scatter.add.f32 [tilespmem:s30], [sflag:$0x2], $0x1, s9, s14, $0xb8;
	[tilespmem:$0x1E900] =	vst v63  }
0x105: {  	_ =	swait.ge [sflag:s11], $0x80  }
0x106: {  	[sflag:s11] =	ssyncset.done $0x0  }
0x107: {  	p0 =	sne.s32 s10, $0x3180;
	[sflag:s11] =	ssyncadd.s32 $0xFFFFFF80  }
0x108: {  	[spmem:s3] =	stream.indirect.scatter.add.f32 [tilespmem:s28], [sflag:$0x2], $0x10, s22, s14, $0xb8;
	[tilespmem:$0x1E900] =	vst v63  }
.Ltmp0:
0x109: {  	_ =	swait.ge [sflag:s11], $0x800;
	(pc) =	sbr.rel @p0 .LBB2_2-.Ltmp0, $4  }
0x10a: {  	[sflag:s11] =	ssyncset.done $0x0  }
0x10b: {  	[sflag:s11] =	ssyncadd.s32 $0xFFFFF800  }
0x10c: {  	[spmem:s4] =	stream.indirect.scatter.add.f32 [tilespmem:s30], [sflag:$0x2], $0x1, s22, s14, $0xb8;
	[tilespmem:$0x1E900] =	vst v63  }
0x10d: {  	s10 =	sadd.s32 $0x80, s10;
	_ =	swait.ge [sflag:s11], $0x80  }
0x10e: {  	[sflag:s11] =	ssyncset.done $0x0  }
0x10f: {  	[sflag:s11] =	ssyncadd.s32 $0xFFFFFF80  }
0x110: {  	[bflag:$0x0] =	sbarrier.arrive $0xFFFF  }
0x111: {  	s10 =	rddreg [dreg:$0xc]  }
0x112: {  	s12 =	rddreg [dreg:$0xe]  }
0x113: {  	s8 =	rddreg [dreg:$0x10]  }
0x114: {  	[hbm:s8], [sflag:s10] =	dma.local [spmem:s12], $0x3100  }
0x115: {  	_ =	swait.ge [sflag:s11], $0x3100  }
0x116: {  	[sflag:s11] =	ssyncset.done $0x0;
	s12 =	rddreg [dreg:$0xf]  }
0x117: {  	s24 =	rddreg [dreg:$0x11];
	[sflag:s11] =	ssyncadd.s32 $0xFFFFCF00  }
0x118: {  	[hbm:s24], [sflag:s10] =	dma.local [spmem:s12], $0x310  }
0x119: {  	_ =	swait.ge [sflag:s11], $0x310  }
0x11a: {  	s24 =	rddreg [dreg:$0x12]  }
0x11b: {  	s8 =	rddreg [dreg:$0xd];
	s24 =	sadd.s32 $0x1, s24  }
0x11c: {  	p0 =	sne.s32 s24, s8  }
.Ltmp1:
0x11d: {  	_ = 	snop;
	(pc) =	sbr.rel @p0 .LBB2_1-.Ltmp1, $3  }
0x11e: {  	_ =	sdelay $0x1  }
0x11f: {  	[sflag:s11] =	ssyncset.done $0x0;
	[dreg:$0x12] =	wrdreg s24  }
0x120: {  	[sflag:s11] =	ssyncadd.s32 $0xFFFFFCF0;
	s24 =	smov.u32 s12;
	s12 =	rddreg [dreg:$0xe]  }
0x121: {  	_ =	sfence.sel $0x180000  }
0x122: {  	[bflag:$0x0] =	sbarrier.arrive $0xFFFF  }
0x123: {  	_ =	strace $0x90000047  }
0x124: {  	s0 =	stileid.u32;
	[bflag:$0x2] =	sbarrier.arrive $0xFFFF  }
0x125: {  	p0 =	sne.s32 s0, $0x0;
	s0 =	rddreg [dreg:$0x4]  }
0x126: {  	s0 =	sadd.s32 @!p0 $0x100000, s0  }
0x127: {  	[sflag:s0] =	ssyncadd.tile.s32 @!p0 $0x1;
	_ =	shalt  }
.Lfunc_end2:
_tile_overlayer_lowered:
.L_overlay_start_2:
0x128: {  	(tag) =	ssettag $0x2  }
0x129: {  	s0 =	rddreg [dreg:$0x0];
	s2 =	stileid.u32  }
0x12a: {  	s1 =	rddreg [dreg:$0x1];
	p0 =	sne.s32 s2, $0x0  }
0x12b: {  	s3 =	rddreg [dreg:$0x2];
	[bflag:$0x3] =	sbarrier.arrive $0xFFFF;
	s2 =	simm.s32 @!p0 $0x1C02  }
0x12c: {  	[timem:s3], [sflag:s2] =	dma.local @!p0 [hbm:s0], s1  }
0x12d: {  	s0 =	simm.s32 @!p0 $0x2  }
0x12e: {  	_ =	swait.ge @!p0 [sflag:s0], s1  }
0x12f: {  	s1 =	ssub.s32 @!p0 $0x0, s1;
	[sflag:s0] =	ssyncset.done @!p0 $0x0  }
0x130: {  	[sflag:s0] =	ssyncadd.s32 @!p0 s1  }
0x131: {  	[bflag:$0x3] =	sbarrier.arrive $0xFFFF  }
0x132: {  	_ =	shalt  }

</sc_bundles>
